<compile_context>
chip_gen: v7x
topology: tpu7x:2x2x1
jax: 0.10.2.dev20260603
libtpu: 0.0.44.dev20260713+nightly
codegen_flags: <defaults>
</compile_context>

<pallas_src>
import functools

import jax
import jax.numpy as jnp
from jax import lax
from jax.experimental import pallas as pl
from jax.experimental.pallas import tpu as pltpu
from jax.experimental.pallas import tpu_sc as plsc

HID = 64
G3 = 3 * HID



def _sc_deg_body(ew, ch, np_, dst_hbm, z_hbm, out_hbm, dstv, deg):
    nc = 2
    wid = lax.axis_index("s") * nc + lax.axis_index("c")
    base = wid * ew
    pltpu.sync_copy(z_hbm, deg)
    ones = jnp.full((16,), 1.0, jnp.float32)

    def chunk(i, _):
        pltpu.sync_copy(dst_hbm.at[pl.ds(base + i * ch, ch)], dstv)

        def inner(j, _):
            idx = dstv[pl.ds(j * 16, 16)]
            plsc.addupdate_scatter(deg, [idx], ones)
            return 0

        return lax.fori_loop(0, ch // 16, inner, 0)

    lax.fori_loop(0, ew // ch, chunk, 0)
    pltpu.sync_copy(deg, out_hbm.at[wid])


def _sc_deg(dst_pad, zeros1, np_, e_pad):
    ew = e_pad // 32
    ch = 1600
    mesh = plsc.VectorSubcoreMesh(core_axis_name="c", subcore_axis_name="s")
    f = pl.kernel(
        functools.partial(_sc_deg_body, ew, ch, np_),
        out_type=jax.ShapeDtypeStruct((32, np_), jnp.float32),
        mesh=mesh,
        scratch_types=[
            pltpu.VMEM((ch,), jnp.int32),
            pltpu.VMEM((np_,), jnp.float32),
        ],
        compiler_params=pltpu.CompilerParams(
            needs_layout_passes=False, use_tc_tiling_on_sc=False),
    )
    return f(dst_pad, zeros1)




def _sc_agg_body(np_, e_pad, srcx_hbm, dst2_hbm, hpc_hbm, zr_hbm, out_hbm,
                 srcv0, dstv0, rows0, srcv1, dstv1, rows1,
                 srcv2, dstv2, rows2, aggs, sem0, sem1, sem2):
    c = lax.axis_index("c")
    s = lax.axis_index("s")
    rpt = np_ // 16
    pltpu.sync_copy(zr_hbm.at[pl.ds(s * rpt, rpt)], aggs.at[pl.ds(s * rpt, rpt)])
    plsc.subcore_barrier()

    erows = e_pad // 128
    rpt_e = erows // 16
    ebase = s * rpt_e
    cc = 2
    nch = rpt_e // cc

    def fire(g, srcv, dstv, rows, sem):
        off = ebase + g * cc
        pltpu.sync_copy(srcx_hbm.at[pl.ds(c * erows + off, cc)], srcv)
        pltpu.sync_copy(dst2_hbm.at[pl.ds(off, cc)], dstv)
        for j in range(cc):
            pltpu.async_copy(hpc_hbm.at[srcv.at[j]],
                             rows.at[pl.ds(j * 128, 128)], sem)

    def drain_scatter(srcv, dstv, rows, sem):
        for j in range(cc):
            pltpu.make_async_copy(hpc_hbm.at[srcv.at[j]],
                                  rows.at[pl.ds(j * 128, 128)], sem).wait()
        for j in range(cc):
            pltpu.sync_copy(rows.at[pl.ds(j * 128, 128)], aggs.at[dstv.at[j]],
                            add=True)

    b0 = (srcv0, dstv0, rows0, sem0)
    b1 = (srcv1, dstv1, rows1, sem1)
    b2 = (srcv2, dstv2, rows2, sem2)
    fire(0, *b0)
    fire(1, *b1)

    def body(i, _):
        fire(3 * i + 2, *b2)
        drain_scatter(*b0)
        fire(3 * i + 3, *b0)
        drain_scatter(*b1)
        fire(3 * i + 4, *b1)
        drain_scatter(*b2)
        return 0

    lax.fori_loop(0, (nch - 2) // 3, body, 0)
    drain_scatter(*b0)
    drain_scatter(*b1)

    plsc.subcore_barrier()
    pltpu.sync_copy(aggs.at[pl.ds(s * rpt, rpt)], out_hbm.at[c].at[pl.ds(s * rpt, rpt)])


def _sc_agg(srcx, dst2, hpc, zrows, np_, e_pad):
    mesh = plsc.VectorSubcoreMesh(core_axis_name="c", subcore_axis_name="s")
    f = pl.kernel(
        functools.partial(_sc_agg_body, np_, e_pad),
        out_type=jax.ShapeDtypeStruct((2, np_, 32), jnp.float32),
        mesh=mesh,
        scratch_types=[
            pltpu.VMEM((2, 128), jnp.int32),
            pltpu.VMEM((2, 128), jnp.int32),
            pltpu.VMEM((256, 32), jnp.float32),
            pltpu.VMEM((2, 128), jnp.int32),
            pltpu.VMEM((2, 128), jnp.int32),
            pltpu.VMEM((256, 32), jnp.float32),
            pltpu.VMEM((2, 128), jnp.int32),
            pltpu.VMEM((2, 128), jnp.int32),
            pltpu.VMEM((256, 32), jnp.float32),
            pltpu.VMEM_SHARED((np_, 32), jnp.float32),
            pltpu.SemaphoreType.DMA,
            pltpu.SemaphoreType.DMA,
            pltpu.SemaphoreType.DMA,
        ],
        compiler_params=pltpu.CompilerParams(
            needs_layout_passes=False, use_tc_tiling_on_sc=False),
    )
    return f(srcx, dst2, hpc, zrows)




def _tc_prep_a_body(degp_ref, x_ref, w_ref, h_ref, hp_ref, dinv_ref):
    deg = jnp.sum(degp_ref[...], axis=0) + 1.0
    dinv = lax.rsqrt(deg).reshape(-1, 1)
    h = jnp.dot(x_ref[...], w_ref[...], preferred_element_type=jnp.float32)
    h_ref[...] = h
    hp = h * dinv
    hp_ref[...] = jnp.stack([hp[:, :32], hp[:, 32:]], axis=0)
    dinv_ref[...] = dinv


def _tc_prep_a(degp, xp, gcn_W, np_):
    bn = 1024
    grid = np_ // bn
    return pl.pallas_call(
        _tc_prep_a_body,
        grid=(grid,),
        in_specs=[
            pl.BlockSpec((32, bn), lambda i: (0, i)),
            pl.BlockSpec((bn, 7), lambda i: (i, 0)),
            pl.BlockSpec((7, HID), lambda i: (0, 0)),
        ],
        out_specs=[
            pl.BlockSpec((bn, HID), lambda i: (i, 0)),
            pl.BlockSpec((2, bn, 32), lambda i: (0, i, 0)),
            pl.BlockSpec((bn, 1), lambda i: (i, 0)),
        ],
        out_shape=[
            jax.ShapeDtypeStruct((np_, HID), jnp.float32),
            jax.ShapeDtypeStruct((2, np_, 32), jnp.float32),
            jax.ShapeDtypeStruct((np_, 1), jnp.float32),
        ],
    )(degp, xp, gcn_W)




def _tc_prep_b_body(aggp_ref, dinv_ref, h_ref, gb_ref, wt_ref, bg_ref, gi_ref):
    dinv = dinv_ref[...]
    cat = jnp.concatenate([aggp_ref[0], aggp_ref[1]], axis=1)
    agg = cat * dinv + h_ref[...] * (dinv * dinv) + gb_ref[...]
    gi_ref[...] = (
        jnp.dot(agg, wt_ref[...], preferred_element_type=jnp.float32)
        + bg_ref[...]
    )


G4 = 384


def _tc_prep_b(aggp, dinvc, h, gcn_b, w_ih_t, bias_g, n, np_):
    bn = 1000
    grid = n // bn
    return pl.pallas_call(
        _tc_prep_b_body,
        grid=(grid,),
        in_specs=[
            pl.BlockSpec((2, bn, 32), lambda i: (0, i, 0)),
            pl.BlockSpec((bn, 1), lambda i: (i, 0)),
            pl.BlockSpec((bn, HID), lambda i: (i, 0)),
            pl.BlockSpec((1, HID), lambda i: (0, 0)),
            pl.BlockSpec((HID, G4), lambda i: (0, 0)),
            pl.BlockSpec((1, G4), lambda i: (0, 0)),
        ],
        out_specs=pl.BlockSpec((bn, G4), lambda i: (i, 0)),
        out_shape=jax.ShapeDtypeStruct((n, G4), jnp.float32),
    )(aggp, dinvc, h, gcn_b, w_ih_t, bias_g)




def _tc_gru_body(bn, nblk, gi_ref, wt_ref, bn_ref, fw_ref, fb_ref, h0_ref,
                 y_ref, hl_ref, h_scr, outs_scr):
    pid = pl.program_id(0)

    @pl.when(pid == 0)
    def _init():
        h_scr[...] = h0_ref[...]

    wt = wt_ref[...]
    bvec = bn_ref[...]

    def step(t, h):
        gi = gi_ref[pl.ds(t, 1), :]
        gh = jnp.sum(h.reshape(HID, 1) * wt, axis=0, keepdims=True) + bvec
        a = gi + gh
        tr = jnp.tanh(a[:, 0:HID])
        tz = jnp.tanh(a[:, 128:128 + HID])
        ghn_h = gh[:, 256:256 + HID]
        ng = jnp.tanh(a[:, 256:256 + HID] + tr * ghn_h)
        zz = 0.5 * tz + 0.5
        hn = ng + zz * (h - ng)
        outs_scr[pl.ds(t, 1), :] = hn
        return hn

    h = lax.fori_loop(0, bn, step, h_scr[...], unroll=4)
    h_scr[...] = h
    y_ref[...] = (
        jnp.dot(outs_scr[...], fw_ref[...], preferred_element_type=jnp.float32)
        + fb_ref[...]
    )

    @pl.when(pid == nblk - 1)
    def _fin():
        hl_ref[...] = h


def _tc_gru(gi, w_hh_t, b_hh_n, fc_W, fc_b, h0, n):
    bn = 2000
    nblk = n // bn
    return pl.pallas_call(
        functools.partial(_tc_gru_body, bn, nblk),
        grid=(nblk,),
        in_specs=[
            pl.BlockSpec((bn, G4), lambda i: (i, 0)),
            pl.BlockSpec((HID, G4), lambda i: (0, 0)),
            pl.BlockSpec((1, G4), lambda i: (0, 0)),
            pl.BlockSpec((HID, 4), lambda i: (0, 0)),
            pl.BlockSpec((1, 4), lambda i: (0, 0)),
            pl.BlockSpec((1, HID), lambda i: (0, 0)),
        ],
        out_specs=[
            pl.BlockSpec((bn, 4), lambda i: (i, 0)),
            pl.BlockSpec((1, HID), lambda i: (0, 0)),
        ],
        out_shape=[
            jax.ShapeDtypeStruct((n, 4), jnp.float32),
            jax.ShapeDtypeStruct((1, HID), jnp.float32),
        ],
        scratch_shapes=[
            pltpu.VMEM((1, HID), jnp.float32),
            pltpu.VMEM((bn, HID), jnp.float32),
        ],
    )(gi, w_hh_t, b_hh_n, fc_W, fc_b, h0)




def kernel(x, edge_index, hidden_state, gcn_W, gcn_b, W_ih, W_hh, b_ih, b_hh,
           fc_W, fc_b):
    n = x.shape[0]
    e = edge_index.shape[1]
    np_ = 50176
    e_pad = 819200

    src = edge_index[0].astype(jnp.int32)
    dst = edge_index[1].astype(jnp.int32)
    padi = jnp.full((e_pad - e,), n, jnp.int32)
    src_pad = jnp.concatenate([src, padi])
    dst_pad = jnp.concatenate([dst, padi])
    srcx = jnp.concatenate([src_pad, src_pad + np_]).reshape(-1, 128)
    dst2 = dst_pad.reshape(-1, 128)

    zeros1 = jnp.zeros((np_,), jnp.float32)
    zrows = jnp.zeros((np_, 32), jnp.float32)

    degp = _sc_deg(dst_pad, zeros1, np_, e_pad)

    xp = jnp.zeros((np_, 7), x.dtype).at[:n].set(x)
    h, hp2, dinvc = _tc_prep_a(degp, xp, gcn_W, np_)

    hpc = hp2.reshape(2 * np_, 32)
    aggp = _sc_agg(srcx, dst2, hpc, zrows, np_, e_pad)

    def pad_gates(m):
        out = jnp.zeros(m.shape[:-1] + (G4,), jnp.float32)
        for g in range(3):
            out = out.at[..., 128 * g:128 * g + HID].set(
                m[..., HID * g:HID * (g + 1)])
        return out

    gsc = jnp.concatenate([jnp.full((2 * HID,), 0.5, jnp.float32),
                           jnp.ones((HID,), jnp.float32)])
    bias_g = pad_gates((gsc * (b_ih + jnp.concatenate(
        [b_hh[:2 * HID], jnp.zeros((HID,), jnp.float32)]))).reshape(1, G3))
    w_ih_t = pad_gates(W_ih.T * gsc[None, :])
    gi = _tc_prep_b(aggp[:, :n, :], dinvc[:n], h[:n], gcn_b.reshape(1, HID),
                    w_ih_t, bias_g, n, np_)

    w_hh_t = 0.5 * pad_gates(W_hh.T)
    b_hh_n = 0.5 * pad_gates(jnp.concatenate(
        [jnp.zeros((2 * HID,), jnp.float32), b_hh[2 * HID:]]).reshape(1, G3))
    h0 = hidden_state[0]
    y, hlast = _tc_gru(gi, w_hh_t, b_hh_n, fc_W, fc_b.reshape(1, 4), h0, n)

    new_x = jnp.concatenate([x[:, :3], y], axis=1)
    return new_x, hlast[None]

# --- scband reference (transcript-rebuilt; emitter-appended) ---
"""Pipeline reference for scband-recurrent-gnn-20151986553049 (READ-ONLY COPY).

The authoritative reference and input builder live on the scoring server;
editing this copy changes nothing except your own understanding.
"""

import jax, jax.numpy as jnp
import numpy as np

N = 50000
E = 800000
IN_DIM = 7
HID = 64
OUT_DIM = 4


def setup_inputs(seed: int = 0) -> dict:
    key = jax.random.key(seed)
    ks = jax.random.split(key, 10)
    x = jax.random.normal(ks[0], (N, IN_DIM), dtype=jnp.float32)
    edge_index = jax.random.randint(ks[1], (2, E), 0, N)
    hidden_state = jnp.zeros((1, 1, HID), dtype=jnp.float32)
    s_g = 1.0 / np.sqrt(IN_DIM)
    gcn_W = jax.random.uniform(ks[2], (IN_DIM, HID), jnp.float32, -s_g, s_g)
    gcn_b = jax.random.uniform(ks[3], (HID,), jnp.float32, -s_g, s_g)
    s_h = 1.0 / np.sqrt(HID)
    W_ih = jax.random.uniform(ks[4], (3 * HID, HID), jnp.float32, -s_h, s_h)
    W_hh = jax.random.uniform(ks[5], (3 * HID, HID), jnp.float32, -s_h, s_h)
    b_ih = jax.random.uniform(ks[6], (3 * HID,), jnp.float32, -s_h, s_h)
    b_hh = jax.random.uniform(ks[7], (3 * HID,), jnp.float32, -s_h, s_h)
    fc_W = jax.random.uniform(ks[8], (HID, OUT_DIM), jnp.float32, -s_h, s_h)
    fc_b = jax.random.uniform(ks[9], (OUT_DIM,), jnp.float32, -s_h, s_h)
    return {"x": x, "edge_index": edge_index, "hidden_state": hidden_state,
            "gcn_W": gcn_W, "gcn_b": gcn_b, "W_ih": W_ih, "W_hh": W_hh,
            "b_ih": b_ih, "b_hh": b_hh, "fc_W": fc_W, "fc_b": fc_b}


def _gcn(x, edge_index, W, b):
    # GCNConv: x' = D^{-1/2} (A + I) D^{-1/2} X W + b
    n = x.shape[0]
    h = x @ W
    self_idx = jnp.arange(n, dtype=edge_index.dtype)
    src = jnp.concatenate([edge_index[0], self_idx])
    dst = jnp.concatenate([edge_index[1], self_idx])
    deg = jnp.zeros((n,), jnp.float32).at[dst].add(1.0)
    dinv = jax.lax.rsqrt(deg)
    norm = dinv[src] * dinv[dst]
    msg = h[src] * norm[:, None]
    agg = jax.ops.segment_sum(msg, dst, num_segments=n)
    return agg + b


def _gru(seq, h0, W_ih, W_hh, b_ih, b_hh):
    # PyTorch GRU, single layer, batch=1, seq_len=N (nodes treated as a sequence)
    def step(hprev, xt):
        gi = W_ih @ xt + b_ih
        gh = W_hh @ hprev + b_hh
        i_r, i_z, i_n = jnp.split(gi, 3)
        h_r, h_z, h_n = jnp.split(gh, 3)
        r = jax.nn.sigmoid(i_r + h_r)
        z = jax.nn.sigmoid(i_z + h_z)
        ng = jnp.tanh(i_n + r * h_n)
        hnew = (1.0 - z) * ng + z * hprev
        return hnew, hnew
    hlast, outs = jax.lax.scan(step, h0, seq)
    return outs, hlast


def reference(x, edge_index, hidden_state, gcn_W, gcn_b, W_ih, W_hh, b_ih, b_hh, fc_W, fc_b):
    agg = _gcn(x, edge_index, gcn_W, gcn_b)
    outs, hlast = _gru(agg, hidden_state[0, 0], W_ih, W_hh, b_ih, b_hh)
    y = outs @ fc_W + fc_b
    new_x = jnp.concatenate([x[:, :3], y], axis=1)
    return new_x, hlast[None, None, :]

if __name__ == "__main__":
    import jax
    _d = setup_inputs()
    print(jax.jit(kernel)(*tuple(_d.values())))

</pallas_src>

<mosaic_0001>
#map = affine_map<(d0, d1) -> (0)>
#map1 = affine_map<(d0, d1) -> (0, 0)>
module attributes {stable_mosaic.version = 14 : i64} {
  func.func @_sc_deg_body(%arg0: i32, %arg1: i32, %arg2: memref<819200xi32, #tpu.memory_space<hbm>>, %arg3: memref<50176xf32, #tpu.memory_space<hbm>>, %arg4: memref<32x50176xf32, #tpu.memory_space<hbm>>, %arg5: memref<1600xi32, #tpu.memory_space<vmem>>, %arg6: memref<50176xf32, #tpu.memory_space<vmem>>) attributes {dimension_semantics = [#tpu.dimension_semantics<core_parallel>, #tpu.dimension_semantics<subcore_parallel>], iteration_bounds = array<i64: 2, 16>, scalar_prefetch = 0 : i64, scratch_operands = 2 : i64, tpu.core_type = #tpu.core_type<sc_vector_subcore>, window_params = [{transform_indices = #map}, {transform_indices = #map}, {transform_indices = #map1}]} {
    %mul3A = arith.constant 2 : i32
    %mul3A_0 = arith.muli %arg1, %mul3A : i32
    %add3A = arith.addi %mul3A_0, %arg0 : i32
    %mul3A_1 = arith.constant 25600 : i32
    %mul3A_2 = arith.muli %add3A, %mul3A_1 : i32
    "tpu.region"() ({
      %run_scoped3A = tpu.sem_alloc : memref<!tpu.dma_semaphore, #tpu.memory_space<semaphore_mem>>
      tpu.enqueue_dma source(%arg3 : memref<50176xf32, #tpu.memory_space<hbm>>) target(%arg6 : memref<50176xf32, #tpu.memory_space<vmem>>) target_semaphore(%run_scoped3A : memref<!tpu.dma_semaphore, #tpu.memory_space<semaphore_mem>>)
      tpu.wait_dma2 semaphore(%run_scoped3A : memref<!tpu.dma_semaphore, #tpu.memory_space<semaphore_mem>>) src(%arg3 : memref<50176xf32, #tpu.memory_space<hbm>>) dst(%arg6 : memref<50176xf32, #tpu.memory_space<vmem>>)
      tpu.yield
    }) : () -> ()
    %broadcast_in_dim3A = arith.constant 1.000000e+00 : f32
    %broadcast_in_dim3A_3 = vector.broadcast %broadcast_in_dim3A : f32 to vector<16xf32>
    %scan3A = arith.constant 0 : i32
    %scan3A_4 = arith.constant 0 : i32
    %scan3A_5 = arith.constant 16 : i32
    %scan3A_6 = arith.addi %scan3A_4, %scan3A_5 : i32
    %scan3A_7 = arith.constant 1 : i32
    %scan3A_8 = scf.for %scan3A_10 = %scan3A_4 to %scan3A_6 step %scan3A_7 iter_args(%scan3A_11 = %scan3A) -> (i32)  : i32 {
      %mul3A_12 = arith.constant 1600 : i32
      %mul3A_13 = arith.muli %scan3A_10, %mul3A_12 : i32
      %add3A_14 = arith.addi %mul3A_2, %mul3A_13 : i32
      "tpu.region"() ({
        %run_scoped3A = tpu.sem_alloc : memref<!tpu.dma_semaphore, #tpu.memory_space<semaphore_mem>>
        %dma_start3A = tpu.memref_slice %arg2[%add3A_14] : memref<819200xi32, #tpu.memory_space<hbm>> -> memref<1600xi32, #tpu.memory_space<hbm>>
        %dma_start3A_22 = tpu.memref_slice %arg2[%add3A_14] : memref<819200xi32, #tpu.memory_space<hbm>> -> memref<1600xi32, #tpu.memory_space<hbm>>
        tpu.enqueue_dma source(%dma_start3A_22 : memref<1600xi32, #tpu.memory_space<hbm>>) target(%arg5 : memref<1600xi32, #tpu.memory_space<vmem>>) target_semaphore(%run_scoped3A : memref<!tpu.dma_semaphore, #tpu.memory_space<semaphore_mem>>)
        %dma_wait3A = tpu.memref_slice %arg2[%add3A_14] : memref<819200xi32, #tpu.memory_space<hbm>> -> memref<1600xi32, #tpu.memory_space<hbm>>
        %dma_wait3A_23 = tpu.memref_slice %arg2[%add3A_14] : memref<819200xi32, #tpu.memory_space<hbm>> -> memref<1600xi32, #tpu.memory_space<hbm>>
        tpu.wait_dma2 semaphore(%run_scoped3A : memref<!tpu.dma_semaphore, #tpu.memory_space<semaphore_mem>>) src(%dma_wait3A_23 : memref<1600xi32, #tpu.memory_space<hbm>>) dst(%arg5 : memref<1600xi32, #tpu.memory_space<vmem>>)
        tpu.yield
      }) : () -> ()
      %scan3A_15 = arith.constant 0 : i32
      %scan3A_16 = arith.constant 0 : i32
      %scan3A_17 = arith.constant 100 : i32
      %scan3A_18 = arith.addi %scan3A_16, %scan3A_17 : i32
      %scan3A_19 = arith.constant 1 : i32
      %scan3A_20 = scf.for %scan3A_22 = %scan3A_16 to %scan3A_18 step %scan3A_19 iter_args(%scan3A_23 = %scan3A_15) -> (i32)  : i32 {
        %mul3A_24 = arith.constant 16 : i32
        %mul3A_25 = arith.muli %scan3A_22, %mul3A_24 : i32
        %get3A = arith.index_cast %mul3A_25 : i32 to index
        %get3A_26 = tpu.vector_load %arg5[%get3A] {strides = array<i32>} : memref<1600xi32, #tpu.memory_space<vmem>>, vector<16xi32>,
        tpu.vector_store_idx %arg6[%get3A_26], %broadcast_in_dim3A_3 {add = true} : memref<50176xf32, #tpu.memory_space<vmem>>[vector<16xi32>], vector<16xf32>,
        %scan3A_27 = arith.constant 0 : i32
        scf.yield %scan3A_27 : i32
      }
      %scan3A_21 = arith.constant 100 : i32
      scf.yield %scan3A_20 : i32
    }
    %scan3A_9 = arith.constant 16 : i32
    "tpu.region"() ({
      %run_scoped3A = tpu.sem_alloc : memref<!tpu.dma_semaphore, #tpu.memory_space<semaphore_mem>>
      %dma_start3A = arith.constant 0 : i32
      %dma_start3A_10 = tpu.memref_slice %arg4[%add3A, %dma_start3A] : memref<32x50176xf32, #tpu.memory_space<hbm>> -> memref<1x50176xf32, #tpu.memory_space<hbm>>
      %dma_start3A_11 = tpu.memref_squeeze %dma_start3A_10 : memref<1x50176xf32, #tpu.memory_space<hbm>> -> memref<50176xf32, #tpu.memory_space<hbm>>
      %dma_start3A_12 = arith.constant 0 : i32
      %dma_start3A_13 = tpu.memref_slice %arg4[%add3A, %dma_start3A_12] : memref<32x50176xf32, #tpu.memory_space<hbm>> -> memref<1x50176xf32, #tpu.memory_space<hbm>>
      %dma_start3A_14 = tpu.memref_squeeze %dma_start3A_13 : memref<1x50176xf32, #tpu.memory_space<hbm>> -> memref<50176xf32, #tpu.memory_space<hbm>>
      tpu.enqueue_dma source(%arg6 : memref<50176xf32, #tpu.memory_space<vmem>>) target(%dma_start3A_14 : memref<50176xf32, #tpu.memory_space<hbm>>) target_semaphore(%run_scoped3A : memref<!tpu.dma_semaphore, #tpu.memory_space<semaphore_mem>>)
      %dma_wait3A = arith.constant 0 : i32
      %dma_wait3A_15 = tpu.memref_slice %arg4[%add3A, %dma_wait3A] : memref<32x50176xf32, #tpu.memory_space<hbm>> -> memref<1x50176xf32, #tpu.memory_space<hbm>>
      %dma_wait3A_16 = tpu.memref_squeeze %dma_wait3A_15 : memref<1x50176xf32, #tpu.memory_space<hbm>> -> memref<50176xf32, #tpu.memory_space<hbm>>
      %dma_wait3A_17 = arith.constant 0 : i32
      %dma_wait3A_18 = tpu.memref_slice %arg4[%add3A, %dma_wait3A_17] : memref<32x50176xf32, #tpu.memory_space<hbm>> -> memref<1x50176xf32, #tpu.memory_space<hbm>>
      %dma_wait3A_19 = tpu.memref_squeeze %dma_wait3A_18 : memref<1x50176xf32, #tpu.memory_space<hbm>> -> memref<50176xf32, #tpu.memory_space<hbm>>
      tpu.wait_dma2 semaphore(%run_scoped3A : memref<!tpu.dma_semaphore, #tpu.memory_space<semaphore_mem>>) src(%arg6 : memref<50176xf32, #tpu.memory_space<vmem>>) dst(%dma_wait3A_19 : memref<50176xf32, #tpu.memory_space<hbm>>)
      tpu.yield
    }) : () -> ()
    return
  }
}

#map = affine_map<(d0, d1) -> (0, 0)>
#map1 = affine_map<(d0, d1) -> (0, 0, 0)>
module attributes {stable_mosaic.version = 14 : i64} {
  func.func @_sc_agg_body(%arg0: i32, %arg1: i32, %arg2: memref<12800x128xi32, #tpu.memory_space<hbm>>, %arg3: memref<6400x128xi32, #tpu.memory_space<hbm>>, %arg4: memref<100352x32xf32, #tpu.memory_space<hbm>>, %arg5: memref<50176x32xf32, #tpu.memory_space<hbm>>, %arg6: memref<2x50176x32xf32, #tpu.memory_space<hbm>>, %arg7: memref<2x128xi32, #tpu.memory_space<vmem>>, %arg8: memref<2x128xi32, #tpu.memory_space<vmem>>, %arg9: memref<256x32xf32, #tpu.memory_space<vmem>>, %arg10: memref<2x128xi32, #tpu.memory_space<vmem>>, %arg11: memref<2x128xi32, #tpu.memory_space<vmem>>, %arg12: memref<256x32xf32, #tpu.memory_space<vmem>>, %arg13: memref<2x128xi32, #tpu.memory_space<vmem>>, %arg14: memref<2x128xi32, #tpu.memory_space<vmem>>, %arg15: memref<256x32xf32, #tpu.memory_space<vmem>>, %arg16: memref<50176x32xf32, #tpu.memory_space<vmem_shared>>, %arg17: memref<!tpu.dma_semaphore, #tpu.memory_space<semaphore_mem>>, %arg18: memref<!tpu.dma_semaphore, #tpu.memory_space<semaphore_mem>>, %arg19: memref<!tpu.dma_semaphore, #tpu.memory_space<semaphore_mem>>) attributes {dimension_semantics = [#tpu.dimension_semantics<core_parallel>, #tpu.dimension_semantics<subcore_parallel>], iteration_bounds = array<i64: 2, 16>, scalar_prefetch = 0 : i64, scratch_operands = 13 : i64, tpu.core_type = #tpu.core_type<sc_vector_subcore>, window_params = [{transform_indices = #map}, {transform_indices = #map}, {transform_indices = #map}, {transform_indices = #map}, {transform_indices = #map1}]} {
    %mul3A = arith.constant 3136 : i32
    %mul3A_0 = arith.muli %arg1, %mul3A : i32
    %mul3A_1 = arith.constant 3136 : i32
    %mul3A_2 = arith.muli %arg1, %mul3A_1 : i32
    "tpu.region"() ({
      %run_scoped3A_106 = tpu.sem_alloc : memref<!tpu.dma_semaphore, #tpu.memory_space<semaphore_mem>>
      %dma_start3A_107 = arith.constant 0 : i32
      %dma_start3A_108 = tpu.memref_slice %arg16[%mul3A_2, %dma_start3A_107] : memref<50176x32xf32, #tpu.memory_space<vmem_shared>> -> memref<3136x32xf32, #tpu.memory_space<vmem_shared>>
      %dma_start3A_109 = arith.constant 0 : i32
      %dma_start3A_110 = tpu.memref_slice %arg5[%mul3A_0, %dma_start3A_109] : memref<50176x32xf32, #tpu.memory_space<hbm>> -> memref<3136x32xf32, #tpu.memory_space<hbm>>
      tpu.enqueue_dma source(%dma_start3A_110 : memref<3136x32xf32, #tpu.memory_space<hbm>>) target(%dma_start3A_108 : memref<3136x32xf32, #tpu.memory_space<vmem_shared>>) target_semaphore(%run_scoped3A_106 : memref<!tpu.dma_semaphore, #tpu.memory_space<semaphore_mem>>)
      %dma_wait3A_111 = arith.constant 0 : i32
      %dma_wait3A_112 = tpu.memref_slice %arg16[%mul3A_2, %dma_wait3A_111] : memref<50176x32xf32, #tpu.memory_space<vmem_shared>> -> memref<3136x32xf32, #tpu.memory_space<vmem_shared>>
      %dma_wait3A_113 = arith.constant 0 : i32
      %dma_wait3A_114 = tpu.memref_slice %arg5[%mul3A_0, %dma_wait3A_113] : memref<50176x32xf32, #tpu.memory_space<hbm>> -> memref<3136x32xf32, #tpu.memory_space<hbm>>
      tpu.wait_dma2 semaphore(%run_scoped3A_106 : memref<!tpu.dma_semaphore, #tpu.memory_space<semaphore_mem>>) src(%dma_wait3A_114 : memref<3136x32xf32, #tpu.memory_space<hbm>>) dst(%dma_wait3A_112 : memref<3136x32xf32, #tpu.memory_space<vmem_shared>>)
      tpu.yield
    }) : () -> ()
    %barrier3A = arith.constant 0 : index
    tpu.barrier barrier_id(%barrier3A)
    %mul3A_3 = arith.constant 400 : i32
    %mul3A_4 = arith.muli %arg1, %mul3A_3 : i32
    %add3A = arith.constant 0 : i32
    %add3A_5 = arith.addi %mul3A_4, %add3A : i32
    %mul3A_6 = arith.constant 6400 : i32
    %mul3A_7 = arith.muli %arg0, %mul3A_6 : i32
    %add3A_8 = arith.addi %mul3A_7, %add3A_5 : i32
    "tpu.region"() ({
      %run_scoped3A_106 = tpu.sem_alloc : memref<!tpu.dma_semaphore, #tpu.memory_space<semaphore_mem>>
      %dma_start3A_107 = arith.constant 0 : i32
      %dma_start3A_108 = tpu.memref_slice %arg2[%add3A_8, %dma_start3A_107] : memref<12800x128xi32, #tpu.memory_space<hbm>> -> memref<2x128xi32, #tpu.memory_space<hbm>>
      %dma_start3A_109 = arith.constant 0 : i32
      %dma_start3A_110 = tpu.memref_slice %arg2[%add3A_8, %dma_start3A_109] : memref<12800x128xi32, #tpu.memory_space<hbm>> -> memref<2x128xi32, #tpu.memory_space<hbm>>
      tpu.enqueue_dma source(%dma_start3A_110 : memref<2x128xi32, #tpu.memory_space<hbm>>) target(%arg7 : memref<2x128xi32, #tpu.memory_space<vmem>>) target_semaphore(%run_scoped3A_106 : memref<!tpu.dma_semaphore, #tpu.memory_space<semaphore_mem>>)
      %dma_wait3A_111 = arith.constant 0 : i32
      %dma_wait3A_112 = tpu.memref_slice %arg2[%add3A_8, %dma_wait3A_111] : memref<12800x128xi32, #tpu.memory_space<hbm>> -> memref<2x128xi32, #tpu.memory_space<hbm>>
      %dma_wait3A_113 = arith.constant 0 : i32
      %dma_wait3A_114 = tpu.memref_slice %arg2[%add3A_8, %dma_wait3A_113] : memref<12800x128xi32, #tpu.memory_space<hbm>> -> memref<2x128xi32, #tpu.memory_space<hbm>>
      tpu.wait_dma2 semaphore(%run_scoped3A_106 : memref<!tpu.dma_semaphore, #tpu.memory_space<semaphore_mem>>) src(%dma_wait3A_114 : memref<2x128xi32, #tpu.memory_space<hbm>>) dst(%arg7 : memref<2x128xi32, #tpu.memory_space<vmem>>)
      tpu.yield
    }) : () -> ()
    "tpu.region"() ({
      %run_scoped3A_106 = tpu.sem_alloc : memref<!tpu.dma_semaphore, #tpu.memory_space<semaphore_mem>>
      %dma_start3A_107 = arith.constant 0 : i32
      %dma_start3A_108 = tpu.memref_slice %arg3[%add3A_5, %dma_start3A_107] : memref<6400x128xi32, #tpu.memory_space<hbm>> -> memref<2x128xi32, #tpu.memory_space<hbm>>
      %dma_start3A_109 = arith.constant 0 : i32
      %dma_start3A_110 = tpu.memref_slice %arg3[%add3A_5, %dma_start3A_109] : memref<6400x128xi32, #tpu.memory_space<hbm>> -> memref<2x128xi32, #tpu.memory_space<hbm>>
      tpu.enqueue_dma source(%dma_start3A_110 : memref<2x128xi32, #tpu.memory_space<hbm>>) target(%arg8 : memref<2x128xi32, #tpu.memory_space<vmem>>) target_semaphore(%run_scoped3A_106 : memref<!tpu.dma_semaphore, #tpu.memory_space<semaphore_mem>>)
      %dma_wait3A_111 = arith.constant 0 : i32
      %dma_wait3A_112 = tpu.memref_slice %arg3[%add3A_5, %dma_wait3A_111] : memref<6400x128xi32, #tpu.memory_space<hbm>> -> memref<2x128xi32, #tpu.memory_space<hbm>>
      %dma_wait3A_113 = arith.constant 0 : i32
      %dma_wait3A_114 = tpu.memref_slice %arg3[%add3A_5, %dma_wait3A_113] : memref<6400x128xi32, #tpu.memory_space<hbm>> -> memref<2x128xi32, #tpu.memory_space<hbm>>
      tpu.wait_dma2 semaphore(%run_scoped3A_106 : memref<!tpu.dma_semaphore, #tpu.memory_space<semaphore_mem>>) src(%dma_wait3A_114 : memref<2x128xi32, #tpu.memory_space<hbm>>) dst(%arg8 : memref<2x128xi32, #tpu.memory_space<vmem>>)
      tpu.yield
    }) : () -> ()
    %dma_start3A = arith.constant 0 : i32
    %dma_start3A_9 = arith.constant 0 : i32
    %dma_start3A_10 = arith.constant 0 : i32
    %dma_start3A_11 = tpu.memref_slice %arg9[%dma_start3A_9, %dma_start3A_10] : memref<256x32xf32, #tpu.memory_space<vmem>> -> memref<128x32xf32, #tpu.memory_space<vmem>>
    %dma_start3A_12 = arith.constant 0 : i32
    %dma_start3A_13 = tpu.memref_slice %arg7[%dma_start3A, %dma_start3A_12] : memref<2x128xi32, #tpu.memory_space<vmem>> -> memref<1x128xi32, #tpu.memory_space<vmem>>
    %dma_start3A_14 = tpu.memref_squeeze %dma_start3A_13 : memref<1x128xi32, #tpu.memory_space<vmem>> -> memref<128xi32, #tpu.memory_space<vmem>>
    %dma_start3A_15 = arith.constant 0 : i32
    %dma_start3A_16 = arith.constant 0 : i32
    %dma_start3A_17 = tpu.memref_slice %arg4[%dma_start3A_15, %dma_start3A_16] : memref<100352x32xf32, #tpu.memory_space<hbm>> -> memref<100352x32xf32, #tpu.memory_space<hbm>>
    tpu.enqueue_indirect_dma source(%dma_start3A_17 : memref<100352x32xf32, #tpu.memory_space<hbm>>) target(%dma_start3A_11 : memref<128x32xf32, #tpu.memory_space<vmem>>) offsets(%dma_start3A_14 : memref<128xi32, #tpu.memory_space<vmem>>) semaphore(%arg17 : memref<!tpu.dma_semaphore, #tpu.memory_space<semaphore_mem>>)
    %dma_start3A_18 = arith.constant 1 : i32
    %dma_start3A_19 = arith.constant 128 : i32
    %dma_start3A_20 = arith.constant 0 : i32
    %dma_start3A_21 = tpu.memref_slice %arg9[%dma_start3A_19, %dma_start3A_20] : memref<256x32xf32, #tpu.memory_space<vmem>> -> memref<128x32xf32, #tpu.memory_space<vmem>>
    %dma_start3A_22 = arith.constant 0 : i32
    %dma_start3A_23 = tpu.memref_slice %arg7[%dma_start3A_18, %dma_start3A_22] : memref<2x128xi32, #tpu.memory_space<vmem>> -> memref<1x128xi32, #tpu.memory_space<vmem>>
    %dma_start3A_24 = tpu.memref_squeeze %dma_start3A_23 : memref<1x128xi32, #tpu.memory_space<vmem>> -> memref<128xi32, #tpu.memory_space<vmem>>
    %dma_start3A_25 = arith.constant 0 : i32
    %dma_start3A_26 = arith.constant 0 : i32
    %dma_start3A_27 = tpu.memref_slice %arg4[%dma_start3A_25, %dma_start3A_26] : memref<100352x32xf32, #tpu.memory_space<hbm>> -> memref<100352x32xf32, #tpu.memory_space<hbm>>
    tpu.enqueue_indirect_dma source(%dma_start3A_27 : memref<100352x32xf32, #tpu.memory_space<hbm>>) target(%dma_start3A_21 : memref<128x32xf32, #tpu.memory_space<vmem>>) offsets(%dma_start3A_24 : memref<128xi32, #tpu.memory_space<vmem>>) semaphore(%arg17 : memref<!tpu.dma_semaphore, #tpu.memory_space<semaphore_mem>>)
    %add3A_28 = arith.constant 2 : i32
    %add3A_29 = arith.addi %mul3A_4, %add3A_28 : i32
    %mul3A_30 = arith.constant 6400 : i32
    %mul3A_31 = arith.muli %arg0, %mul3A_30 : i32
    %add3A_32 = arith.addi %mul3A_31, %add3A_29 : i32
    "tpu.region"() ({
      %run_scoped3A_106 = tpu.sem_alloc : memref<!tpu.dma_semaphore, #tpu.memory_space<semaphore_mem>>
      %dma_start3A_107 = arith.constant 0 : i32
      %dma_start3A_108 = tpu.memref_slice %arg2[%add3A_32, %dma_start3A_107] : memref<12800x128xi32, #tpu.memory_space<hbm>> -> memref<2x128xi32, #tpu.memory_space<hbm>>
      %dma_start3A_109 = arith.constant 0 : i32
      %dma_start3A_110 = tpu.memref_slice %arg2[%add3A_32, %dma_start3A_109] : memref<12800x128xi32, #tpu.memory_space<hbm>> -> memref<2x128xi32, #tpu.memory_space<hbm>>
      tpu.enqueue_dma source(%dma_start3A_110 : memref<2x128xi32, #tpu.memory_space<hbm>>) target(%arg10 : memref<2x128xi32, #tpu.memory_space<vmem>>) target_semaphore(%run_scoped3A_106 : memref<!tpu.dma_semaphore, #tpu.memory_space<semaphore_mem>>)
      %dma_wait3A_111 = arith.constant 0 : i32
      %dma_wait3A_112 = tpu.memref_slice %arg2[%add3A_32, %dma_wait3A_111] : memref<12800x128xi32, #tpu.memory_space<hbm>> -> memref<2x128xi32, #tpu.memory_space<hbm>>
      %dma_wait3A_113 = arith.constant 0 : i32
      %dma_wait3A_114 = tpu.memref_slice %arg2[%add3A_32, %dma_wait3A_113] : memref<12800x128xi32, #tpu.memory_space<hbm>> -> memref<2x128xi32, #tpu.memory_space<hbm>>
      tpu.wait_dma2 semaphore(%run_scoped3A_106 : memref<!tpu.dma_semaphore, #tpu.memory_space<semaphore_mem>>) src(%dma_wait3A_114 : memref<2x128xi32, #tpu.memory_space<hbm>>) dst(%arg10 : memref<2x128xi32, #tpu.memory_space<vmem>>)
      tpu.yield
    }) : () -> ()
    "tpu.region"() ({
      %run_scoped3A_106 = tpu.sem_alloc : memref<!tpu.dma_semaphore, #tpu.memory_space<semaphore_mem>>
      %dma_start3A_107 = arith.constant 0 : i32
      %dma_start3A_108 = tpu.memref_slice %arg3[%add3A_29, %dma_start3A_107] : memref<6400x128xi32, #tpu.memory_space<hbm>> -> memref<2x128xi32, #tpu.memory_space<hbm>>
      %dma_start3A_109 = arith.constant 0 : i32
      %dma_start3A_110 = tpu.memref_slice %arg3[%add3A_29, %dma_start3A_109] : memref<6400x128xi32, #tpu.memory_space<hbm>> -> memref<2x128xi32, #tpu.memory_space<hbm>>
      tpu.enqueue_dma source(%dma_start3A_110 : memref<2x128xi32, #tpu.memory_space<hbm>>) target(%arg11 : memref<2x128xi32, #tpu.memory_space<vmem>>) target_semaphore(%run_scoped3A_106 : memref<!tpu.dma_semaphore, #tpu.memory_space<semaphore_mem>>)
      %dma_wait3A_111 = arith.constant 0 : i32
      %dma_wait3A_112 = tpu.memref_slice %arg3[%add3A_29, %dma_wait3A_111] : memref<6400x128xi32, #tpu.memory_space<hbm>> -> memref<2x128xi32, #tpu.memory_space<hbm>>
      %dma_wait3A_113 = arith.constant 0 : i32
      %dma_wait3A_114 = tpu.memref_slice %arg3[%add3A_29, %dma_wait3A_113] : memref<6400x128xi32, #tpu.memory_space<hbm>> -> memref<2x128xi32, #tpu.memory_space<hbm>>
      tpu.wait_dma2 semaphore(%run_scoped3A_106 : memref<!tpu.dma_semaphore, #tpu.memory_space<semaphore_mem>>) src(%dma_wait3A_114 : memref<2x128xi32, #tpu.memory_space<hbm>>) dst(%arg11 : memref<2x128xi32, #tpu.memory_space<vmem>>)
      tpu.yield
    }) : () -> ()
    %dma_start3A_33 = arith.constant 0 : i32
    %dma_start3A_34 = arith.constant 0 : i32
    %dma_start3A_35 = arith.constant 0 : i32
    %dma_start3A_36 = tpu.memref_slice %arg12[%dma_start3A_34, %dma_start3A_35] : memref<256x32xf32, #tpu.memory_space<vmem>> -> memref<128x32xf32, #tpu.memory_space<vmem>>
    %dma_start3A_37 = arith.constant 0 : i32
    %dma_start3A_38 = tpu.memref_slice %arg10[%dma_start3A_33, %dma_start3A_37] : memref<2x128xi32, #tpu.memory_space<vmem>> -> memref<1x128xi32, #tpu.memory_space<vmem>>
    %dma_start3A_39 = tpu.memref_squeeze %dma_start3A_38 : memref<1x128xi32, #tpu.memory_space<vmem>> -> memref<128xi32, #tpu.memory_space<vmem>>
    %dma_start3A_40 = arith.constant 0 : i32
    %dma_start3A_41 = arith.constant 0 : i32
    %dma_start3A_42 = tpu.memref_slice %arg4[%dma_start3A_40, %dma_start3A_41] : memref<100352x32xf32, #tpu.memory_space<hbm>> -> memref<100352x32xf32, #tpu.memory_space<hbm>>
    tpu.enqueue_indirect_dma source(%dma_start3A_42 : memref<100352x32xf32, #tpu.memory_space<hbm>>) target(%dma_start3A_36 : memref<128x32xf32, #tpu.memory_space<vmem>>) offsets(%dma_start3A_39 : memref<128xi32, #tpu.memory_space<vmem>>) semaphore(%arg18 : memref<!tpu.dma_semaphore, #tpu.memory_space<semaphore_mem>>)
    %dma_start3A_43 = arith.constant 1 : i32
    %dma_start3A_44 = arith.constant 128 : i32
    %dma_start3A_45 = arith.constant 0 : i32
    %dma_start3A_46 = tpu.memref_slice %arg12[%dma_start3A_44, %dma_start3A_45] : memref<256x32xf32, #tpu.memory_space<vmem>> -> memref<128x32xf32, #tpu.memory_space<vmem>>
    %dma_start3A_47 = arith.constant 0 : i32
    %dma_start3A_48 = tpu.memref_slice %arg10[%dma_start3A_43, %dma_start3A_47] : memref<2x128xi32, #tpu.memory_space<vmem>> -> memref<1x128xi32, #tpu.memory_space<vmem>>
    %dma_start3A_49 = tpu.memref_squeeze %dma_start3A_48 : memref<1x128xi32, #tpu.memory_space<vmem>> -> memref<128xi32, #tpu.memory_space<vmem>>
    %dma_start3A_50 = arith.constant 0 : i32
    %dma_start3A_51 = arith.constant 0 : i32
    %dma_start3A_52 = tpu.memref_slice %arg4[%dma_start3A_50, %dma_start3A_51] : memref<100352x32xf32, #tpu.memory_space<hbm>> -> memref<100352x32xf32, #tpu.memory_space<hbm>>
    tpu.enqueue_indirect_dma source(%dma_start3A_52 : memref<100352x32xf32, #tpu.memory_space<hbm>>) target(%dma_start3A_46 : memref<128x32xf32, #tpu.memory_space<vmem>>) offsets(%dma_start3A_49 : memref<128xi32, #tpu.memory_space<vmem>>) semaphore(%arg18 : memref<!tpu.dma_semaphore, #tpu.memory_space<semaphore_mem>>)
    %scan3A = arith.constant 0 : i32
    %scan3A_53 = arith.constant 0 : i32
    %scan3A_54 = arith.constant 66 : i32
    %scan3A_55 = arith.addi %scan3A_53, %scan3A_54 : i32
    %scan3A_56 = arith.constant 1 : i32
    %scan3A_57 = scf.for %scan3A_106 = %scan3A_53 to %scan3A_55 step %scan3A_56 iter_args(%scan3A_107 = %scan3A) -> (i32)  : i32 {
      %mul3A_108 = arith.constant 3 : i32
      %mul3A_109 = arith.muli %mul3A_108, %scan3A_106 : i32
      %add3A_110 = arith.constant 2 : i32
      %add3A_111 = arith.addi %mul3A_109, %add3A_110 : i32
      %mul3A_112 = arith.constant 2 : i32
      %mul3A_113 = arith.muli %add3A_111, %mul3A_112 : i32
      %add3A_114 = arith.addi %mul3A_4, %mul3A_113 : i32
      %mul3A_115 = arith.constant 6400 : i32
      %mul3A_116 = arith.muli %arg0, %mul3A_115 : i32
      %add3A_117 = arith.addi %mul3A_116, %add3A_114 : i32
      "tpu.region"() ({
        %run_scoped3A_265 = tpu.sem_alloc : memref<!tpu.dma_semaphore, #tpu.memory_space<semaphore_mem>>
        %dma_start3A_266 = arith.constant 0 : i32
        %dma_start3A_267 = tpu.memref_slice %arg2[%add3A_117, %dma_start3A_266] : memref<12800x128xi32, #tpu.memory_space<hbm>> -> memref<2x128xi32, #tpu.memory_space<hbm>>
        %dma_start3A_268 = arith.constant 0 : i32
        %dma_start3A_269 = tpu.memref_slice %arg2[%add3A_117, %dma_start3A_268] : memref<12800x128xi32, #tpu.memory_space<hbm>> -> memref<2x128xi32, #tpu.memory_space<hbm>>
        tpu.enqueue_dma source(%dma_start3A_269 : memref<2x128xi32, #tpu.memory_space<hbm>>) target(%arg13 : memref<2x128xi32, #tpu.memory_space<vmem>>) target_semaphore(%run_scoped3A_265 : memref<!tpu.dma_semaphore, #tpu.memory_space<semaphore_mem>>)
        %dma_wait3A_270 = arith.constant 0 : i32
        %dma_wait3A_271 = tpu.memref_slice %arg2[%add3A_117, %dma_wait3A_270] : memref<12800x128xi32, #tpu.memory_space<hbm>> -> memref<2x128xi32, #tpu.memory_space<hbm>>
        %dma_wait3A_272 = arith.constant 0 : i32
        %dma_wait3A_273 = tpu.memref_slice %arg2[%add3A_117, %dma_wait3A_272] : memref<12800x128xi32, #tpu.memory_space<hbm>> -> memref<2x128xi32, #tpu.memory_space<hbm>>
        tpu.wait_dma2 semaphore(%run_scoped3A_265 : memref<!tpu.dma_semaphore, #tpu.memory_space<semaphore_mem>>) src(%dma_wait3A_273 : memref<2x128xi32, #tpu.memory_space<hbm>>) dst(%arg13 : memref<2x128xi32, #tpu.memory_space<vmem>>)
        tpu.yield
      }) : () -> ()
      "tpu.region"() ({
        %run_scoped3A_265 = tpu.sem_alloc : memref<!tpu.dma_semaphore, #tpu.memory_space<semaphore_mem>>
        %dma_start3A_266 = arith.constant 0 : i32
        %dma_start3A_267 = tpu.memref_slice %arg3[%add3A_114, %dma_start3A_266] : memref<6400x128xi32, #tpu.memory_space<hbm>> -> memref<2x128xi32, #tpu.memory_space<hbm>>
        %dma_start3A_268 = arith.constant 0 : i32
        %dma_start3A_269 = tpu.memref_slice %arg3[%add3A_114, %dma_start3A_268] : memref<6400x128xi32, #tpu.memory_space<hbm>> -> memref<2x128xi32, #tpu.memory_space<hbm>>
        tpu.enqueue_dma source(%dma_start3A_269 : memref<2x128xi32, #tpu.memory_space<hbm>>) target(%arg14 : memref<2x128xi32, #tpu.memory_space<vmem>>) target_semaphore(%run_scoped3A_265 : memref<!tpu.dma_semaphore, #tpu.memory_space<semaphore_mem>>)
        %dma_wait3A_270 = arith.constant 0 : i32
        %dma_wait3A_271 = tpu.memref_slice %arg3[%add3A_114, %dma_wait3A_270] : memref<6400x128xi32, #tpu.memory_space<hbm>> -> memref<2x128xi32, #tpu.memory_space<hbm>>
        %dma_wait3A_272 = arith.constant 0 : i32
        %dma_wait3A_273 = tpu.memref_slice %arg3[%add3A_114, %dma_wait3A_272] : memref<6400x128xi32, #tpu.memory_space<hbm>> -> memref<2x128xi32, #tpu.memory_space<hbm>>
        tpu.wait_dma2 semaphore(%run_scoped3A_265 : memref<!tpu.dma_semaphore, #tpu.memory_space<semaphore_mem>>) src(%dma_wait3A_273 : memref<2x128xi32, #tpu.memory_space<hbm>>) dst(%arg14 : memref<2x128xi32, #tpu.memory_space<vmem>>)
        tpu.yield
      }) : () -> ()
      %dma_start3A_118 = arith.constant 0 : i32
      %dma_start3A_119 = arith.constant 0 : i32
      %dma_start3A_120 = arith.constant 0 : i32
      %dma_start3A_121 = tpu.memref_slice %arg15[%dma_start3A_119, %dma_start3A_120] : memref<256x32xf32, #tpu.memory_space<vmem>> -> memref<128x32xf32, #tpu.memory_space<vmem>>
      %dma_start3A_122 = arith.constant 0 : i32
      %dma_start3A_123 = tpu.memref_slice %arg13[%dma_start3A_118, %dma_start3A_122] : memref<2x128xi32, #tpu.memory_space<vmem>> -> memref<1x128xi32, #tpu.memory_space<vmem>>
      %dma_start3A_124 = tpu.memref_squeeze %dma_start3A_123 : memref<1x128xi32, #tpu.memory_space<vmem>> -> memref<128xi32, #tpu.memory_space<vmem>>
      %dma_start3A_125 = arith.constant 0 : i32
      %dma_start3A_126 = arith.constant 0 : i32
      %dma_start3A_127 = tpu.memref_slice %arg4[%dma_start3A_125, %dma_start3A_126] : memref<100352x32xf32, #tpu.memory_space<hbm>> -> memref<100352x32xf32, #tpu.memory_space<hbm>>
      tpu.enqueue_indirect_dma source(%dma_start3A_127 : memref<100352x32xf32, #tpu.memory_space<hbm>>) target(%dma_start3A_121 : memref<128x32xf32, #tpu.memory_space<vmem>>) offsets(%dma_start3A_124 : memref<128xi32, #tpu.memory_space<vmem>>) semaphore(%arg19 : memref<!tpu.dma_semaphore, #tpu.memory_space<semaphore_mem>>)
      %dma_start3A_128 = arith.constant 1 : i32
      %dma_start3A_129 = arith.constant 128 : i32
      %dma_start3A_130 = arith.constant 0 : i32
      %dma_start3A_131 = tpu.memref_slice %arg15[%dma_start3A_129, %dma_start3A_130] : memref<256x32xf32, #tpu.memory_space<vmem>> -> memref<128x32xf32, #tpu.memory_space<vmem>>
      %dma_start3A_132 = arith.constant 0 : i32
      %dma_start3A_133 = tpu.memref_slice %arg13[%dma_start3A_128, %dma_start3A_132] : memref<2x128xi32, #tpu.memory_space<vmem>> -> memref<1x128xi32, #tpu.memory_space<vmem>>
      %dma_start3A_134 = tpu.memref_squeeze %dma_start3A_133 : memref<1x128xi32, #tpu.memory_space<vmem>> -> memref<128xi32, #tpu.memory_space<vmem>>
      %dma_start3A_135 = arith.constant 0 : i32
      %dma_start3A_136 = arith.constant 0 : i32
      %dma_start3A_137 = tpu.memref_slice %arg4[%dma_start3A_135, %dma_start3A_136] : memref<100352x32xf32, #tpu.memory_space<hbm>> -> memref<100352x32xf32, #tpu.memory_space<hbm>>
      tpu.enqueue_indirect_dma source(%dma_start3A_137 : memref<100352x32xf32, #tpu.memory_space<hbm>>) target(%dma_start3A_131 : memref<128x32xf32, #tpu.memory_space<vmem>>) offsets(%dma_start3A_134 : memref<128xi32, #tpu.memory_space<vmem>>) semaphore(%arg19 : memref<!tpu.dma_semaphore, #tpu.memory_space<semaphore_mem>>)
      %dma_wait3A_138 = arith.constant 0 : i32
      %dma_wait3A_139 = arith.constant 0 : i32
      %dma_wait3A_140 = arith.constant 0 : i32
      %dma_wait3A_141 = tpu.memref_slice %arg9[%dma_wait3A_139, %dma_wait3A_140] : memref<256x32xf32, #tpu.memory_space<vmem>> -> memref<128x32xf32, #tpu.memory_space<vmem>>
      %dma_wait3A_142 = arith.constant 0 : i32
      %dma_wait3A_143 = tpu.memref_slice %arg7[%dma_wait3A_138, %dma_wait3A_142] : memref<2x128xi32, #tpu.memory_space<vmem>> -> memref<1x128xi32, #tpu.memory_space<vmem>>
      %dma_wait3A_144 = tpu.memref_squeeze %dma_wait3A_143 : memref<1x128xi32, #tpu.memory_space<vmem>> -> memref<128xi32, #tpu.memory_space<vmem>>
      %dma_wait3A_145 = arith.constant 0 : i32
      %dma_wait3A_146 = arith.constant 0 : i32
      %dma_wait3A_147 = tpu.memref_slice %arg4[%dma_wait3A_145, %dma_wait3A_146] : memref<100352x32xf32, #tpu.memory_space<hbm>> -> memref<100352x32xf32, #tpu.memory_space<hbm>>
      tpu.wait_indirect_dma semaphore(%arg17 : memref<!tpu.dma_semaphore, #tpu.memory_space<semaphore_mem>>) src(%dma_wait3A_147 : memref<100352x32xf32, #tpu.memory_space<hbm>>) dst(%dma_wait3A_141 : memref<128x32xf32, #tpu.memory_space<vmem>>)
      %dma_wait3A_148 = arith.constant 1 : i32
      %dma_wait3A_149 = arith.constant 128 : i32
      %dma_wait3A_150 = arith.constant 0 : i32
      %dma_wait3A_151 = tpu.memref_slice %arg9[%dma_wait3A_149, %dma_wait3A_150] : memref<256x32xf32, #tpu.memory_space<vmem>> -> memref<128x32xf32, #tpu.memory_space<vmem>>
      %dma_wait3A_152 = arith.constant 0 : i32
      %dma_wait3A_153 = tpu.memref_slice %arg7[%dma_wait3A_148, %dma_wait3A_152] : memref<2x128xi32, #tpu.memory_space<vmem>> -> memref<1x128xi32, #tpu.memory_space<vmem>>
      %dma_wait3A_154 = tpu.memref_squeeze %dma_wait3A_153 : memref<1x128xi32, #tpu.memory_space<vmem>> -> memref<128xi32, #tpu.memory_space<vmem>>
      %dma_wait3A_155 = arith.constant 0 : i32
      %dma_wait3A_156 = arith.constant 0 : i32
      %dma_wait3A_157 = tpu.memref_slice %arg4[%dma_wait3A_155, %dma_wait3A_156] : memref<100352x32xf32, #tpu.memory_space<hbm>> -> memref<100352x32xf32, #tpu.memory_space<hbm>>
      tpu.wait_indirect_dma semaphore(%arg17 : memref<!tpu.dma_semaphore, #tpu.memory_space<semaphore_mem>>) src(%dma_wait3A_157 : memref<100352x32xf32, #tpu.memory_space<hbm>>) dst(%dma_wait3A_151 : memref<128x32xf32, #tpu.memory_space<vmem>>)
      %run_scoped3A_158 = arith.constant 0 : i32
      "tpu.region"() ({
        %run_scoped3A_265 = tpu.sem_alloc : memref<!tpu.dma_semaphore, #tpu.memory_space<semaphore_mem>>
        %dma_start3A_266 = arith.constant 0 : i32
        %dma_start3A_267 = arith.constant 0 : i32
        %dma_start3A_268 = tpu.memref_slice %arg9[%dma_start3A_266, %dma_start3A_267] : memref<256x32xf32, #tpu.memory_space<vmem>> -> memref<128x32xf32, #tpu.memory_space<vmem>>
        %dma_start3A_269 = arith.constant 0 : i32
        %dma_start3A_270 = tpu.memref_slice %arg8[%run_scoped3A_158, %dma_start3A_269] : memref<2x128xi32, #tpu.memory_space<vmem>> -> memref<1x128xi32, #tpu.memory_space<vmem>>
        %dma_start3A_271 = tpu.memref_squeeze %dma_start3A_270 : memref<1x128xi32, #tpu.memory_space<vmem>> -> memref<128xi32, #tpu.memory_space<vmem>>
        %dma_start3A_272 = arith.constant 0 : i32
        %dma_start3A_273 = arith.constant 0 : i32
        %dma_start3A_274 = tpu.memref_slice %arg16[%dma_start3A_272, %dma_start3A_273] : memref<50176x32xf32, #tpu.memory_space<vmem_shared>> -> memref<50176x32xf32, #tpu.memory_space<vmem_shared>>
        tpu.enqueue_indirect_dma source(%dma_start3A_268 : memref<128x32xf32, #tpu.memory_space<vmem>>) target(%dma_start3A_274 : memref<50176x32xf32, #tpu.memory_space<vmem_shared>>) offsets(%dma_start3A_271 : memref<128xi32, #tpu.memory_space<vmem>>) semaphore(%run_scoped3A_265 : memref<!tpu.dma_semaphore, #tpu.memory_space<semaphore_mem>>) {add = true}
        %dma_wait3A_275 = arith.constant 0 : i32
        %dma_wait3A_276 = arith.constant 0 : i32
        %dma_wait3A_277 = tpu.memref_slice %arg9[%dma_wait3A_275, %dma_wait3A_276] : memref<256x32xf32, #tpu.memory_space<vmem>> -> memref<128x32xf32, #tpu.memory_space<vmem>>
        %dma_wait3A_278 = arith.constant 0 : i32
        %dma_wait3A_279 = tpu.memref_slice %arg8[%run_scoped3A_158, %dma_wait3A_278] : memref<2x128xi32, #tpu.memory_space<vmem>> -> memref<1x128xi32, #tpu.memory_space<vmem>>
        %dma_wait3A_280 = tpu.memref_squeeze %dma_wait3A_279 : memref<1x128xi32, #tpu.memory_space<vmem>> -> memref<128xi32, #tpu.memory_space<vmem>>
        %dma_wait3A_281 = arith.constant 0 : i32
        %dma_wait3A_282 = arith.constant 0 : i32
        %dma_wait3A_283 = tpu.memref_slice %arg16[%dma_wait3A_281, %dma_wait3A_282] : memref<50176x32xf32, #tpu.memory_space<vmem_shared>> -> memref<50176x32xf32, #tpu.memory_space<vmem_shared>>
        tpu.wait_indirect_dma semaphore(%run_scoped3A_265 : memref<!tpu.dma_semaphore, #tpu.memory_space<semaphore_mem>>) src(%dma_wait3A_277 : memref<128x32xf32, #tpu.memory_space<vmem>>) dst(%dma_wait3A_283 : memref<50176x32xf32, #tpu.memory_space<vmem_shared>>)
        tpu.yield
      }) : () -> ()
      %run_scoped3A_159 = arith.constant 1 : i32
      "tpu.region"() ({
        %run_scoped3A_265 = tpu.sem_alloc : memref<!tpu.dma_semaphore, #tpu.memory_space<semaphore_mem>>
        %dma_start3A_266 = arith.constant 128 : i32
        %dma_start3A_267 = arith.constant 0 : i32
        %dma_start3A_268 = tpu.memref_slice %arg9[%dma_start3A_266, %dma_start3A_267] : memref<256x32xf32, #tpu.memory_space<vmem>> -> memref<128x32xf32, #tpu.memory_space<vmem>>
        %dma_start3A_269 = arith.constant 0 : i32
        %dma_start3A_270 = tpu.memref_slice %arg8[%run_scoped3A_159, %dma_start3A_269] : memref<2x128xi32, #tpu.memory_space<vmem>> -> memref<1x128xi32, #tpu.memory_space<vmem>>
        %dma_start3A_271 = tpu.memref_squeeze %dma_start3A_270 : memref<1x128xi32, #tpu.memory_space<vmem>> -> memref<128xi32, #tpu.memory_space<vmem>>
        %dma_start3A_272 = arith.constant 0 : i32
        %dma_start3A_273 = arith.constant 0 : i32
        %dma_start3A_274 = tpu.memref_slice %arg16[%dma_start3A_272, %dma_start3A_273] : memref<50176x32xf32, #tpu.memory_space<vmem_shared>> -> memref<50176x32xf32, #tpu.memory_space<vmem_shared>>
        tpu.enqueue_indirect_dma source(%dma_start3A_268 : memref<128x32xf32, #tpu.memory_space<vmem>>) target(%dma_start3A_274 : memref<50176x32xf32, #tpu.memory_space<vmem_shared>>) offsets(%dma_start3A_271 : memref<128xi32, #tpu.memory_space<vmem>>) semaphore(%run_scoped3A_265 : memref<!tpu.dma_semaphore, #tpu.memory_space<semaphore_mem>>) {add = true}
        %dma_wait3A_275 = arith.constant 128 : i32
        %dma_wait3A_276 = arith.constant 0 : i32
        %dma_wait3A_277 = tpu.memref_slice %arg9[%dma_wait3A_275, %dma_wait3A_276] : memref<256x32xf32, #tpu.memory_space<vmem>> -> memref<128x32xf32, #tpu.memory_space<vmem>>
        %dma_wait3A_278 = arith.constant 0 : i32
        %dma_wait3A_279 = tpu.memref_slice %arg8[%run_scoped3A_159, %dma_wait3A_278] : memref<2x128xi32, #tpu.memory_space<vmem>> -> memref<1x128xi32, #tpu.memory_space<vmem>>
        %dma_wait3A_280 = tpu.memref_squeeze %dma_wait3A_279 : memref<1x128xi32, #tpu.memory_space<vmem>> -> memref<128xi32, #tpu.memory_space<vmem>>
        %dma_wait3A_281 = arith.constant 0 : i32
        %dma_wait3A_282 = arith.constant 0 : i32
        %dma_wait3A_283 = tpu.memref_slice %arg16[%dma_wait3A_281, %dma_wait3A_282] : memref<50176x32xf32, #tpu.memory_space<vmem_shared>> -> memref<50176x32xf32, #tpu.memory_space<vmem_shared>>
        tpu.wait_indirect_dma semaphore(%run_scoped3A_265 : memref<!tpu.dma_semaphore, #tpu.memory_space<semaphore_mem>>) src(%dma_wait3A_277 : memref<128x32xf32, #tpu.memory_space<vmem>>) dst(%dma_wait3A_283 : memref<50176x32xf32, #tpu.memory_space<vmem_shared>>)
        tpu.yield
      }) : () -> ()
      %mul3A_160 = arith.constant 3 : i32
      %mul3A_161 = arith.muli %mul3A_160, %scan3A_106 : i32
      %add3A_162 = arith.constant 3 : i32
      %add3A_163 = arith.addi %mul3A_161, %add3A_162 : i32
      %mul3A_164 = arith.constant 2 : i32
      %mul3A_165 = arith.muli %add3A_163, %mul3A_164 : i32
      %add3A_166 = arith.addi %mul3A_4, %mul3A_165 : i32
      %mul3A_167 = arith.constant 6400 : i32
      %mul3A_168 = arith.muli %arg0, %mul3A_167 : i32
      %add3A_169 = arith.addi %mul3A_168, %add3A_166 : i32
      "tpu.region"() ({
        %run_scoped3A_265 = tpu.sem_alloc : memref<!tpu.dma_semaphore, #tpu.memory_space<semaphore_mem>>
        %dma_start3A_266 = arith.constant 0 : i32
        %dma_start3A_267 = tpu.memref_slice %arg2[%add3A_169, %dma_start3A_266] : memref<12800x128xi32, #tpu.memory_space<hbm>> -> memref<2x128xi32, #tpu.memory_space<hbm>>
        %dma_start3A_268 = arith.constant 0 : i32
        %dma_start3A_269 = tpu.memref_slice %arg2[%add3A_169, %dma_start3A_268] : memref<12800x128xi32, #tpu.memory_space<hbm>> -> memref<2x128xi32, #tpu.memory_space<hbm>>
        tpu.enqueue_dma source(%dma_start3A_269 : memref<2x128xi32, #tpu.memory_space<hbm>>) target(%arg7 : memref<2x128xi32, #tpu.memory_space<vmem>>) target_semaphore(%run_scoped3A_265 : memref<!tpu.dma_semaphore, #tpu.memory_space<semaphore_mem>>)
        %dma_wait3A_270 = arith.constant 0 : i32
        %dma_wait3A_271 = tpu.memref_slice %arg2[%add3A_169, %dma_wait3A_270] : memref<12800x128xi32, #tpu.memory_space<hbm>> -> memref<2x128xi32, #tpu.memory_space<hbm>>
        %dma_wait3A_272 = arith.constant 0 : i32
        %dma_wait3A_273 = tpu.memref_slice %arg2[%add3A_169, %dma_wait3A_272] : memref<12800x128xi32, #tpu.memory_space<hbm>> -> memref<2x128xi32, #tpu.memory_space<hbm>>
        tpu.wait_dma2 semaphore(%run_scoped3A_265 : memref<!tpu.dma_semaphore, #tpu.memory_space<semaphore_mem>>) src(%dma_wait3A_273 : memref<2x128xi32, #tpu.memory_space<hbm>>) dst(%arg7 : memref<2x128xi32, #tpu.memory_space<vmem>>)
        tpu.yield
      }) : () -> ()
      "tpu.region"() ({
        %run_scoped3A_265 = tpu.sem_alloc : memref<!tpu.dma_semaphore, #tpu.memory_space<semaphore_mem>>
        %dma_start3A_266 = arith.constant 0 : i32
        %dma_start3A_267 = tpu.memref_slice %arg3[%add3A_166, %dma_start3A_266] : memref<6400x128xi32, #tpu.memory_space<hbm>> -> memref<2x128xi32, #tpu.memory_space<hbm>>
        %dma_start3A_268 = arith.constant 0 : i32
        %dma_start3A_269 = tpu.memref_slice %arg3[%add3A_166, %dma_start3A_268] : memref<6400x128xi32, #tpu.memory_space<hbm>> -> memref<2x128xi32, #tpu.memory_space<hbm>>
        tpu.enqueue_dma source(%dma_start3A_269 : memref<2x128xi32, #tpu.memory_space<hbm>>) target(%arg8 : memref<2x128xi32, #tpu.memory_space<vmem>>) target_semaphore(%run_scoped3A_265 : memref<!tpu.dma_semaphore, #tpu.memory_space<semaphore_mem>>)
        %dma_wait3A_270 = arith.constant 0 : i32
        %dma_wait3A_271 = tpu.memref_slice %arg3[%add3A_166, %dma_wait3A_270] : memref<6400x128xi32, #tpu.memory_space<hbm>> -> memref<2x128xi32, #tpu.memory_space<hbm>>
        %dma_wait3A_272 = arith.constant 0 : i32
        %dma_wait3A_273 = tpu.memref_slice %arg3[%add3A_166, %dma_wait3A_272] : memref<6400x128xi32, #tpu.memory_space<hbm>> -> memref<2x128xi32, #tpu.memory_space<hbm>>
        tpu.wait_dma2 semaphore(%run_scoped3A_265 : memref<!tpu.dma_semaphore, #tpu.memory_space<semaphore_mem>>) src(%dma_wait3A_273 : memref<2x128xi32, #tpu.memory_space<hbm>>) dst(%arg8 : memref<2x128xi32, #tpu.memory_space<vmem>>)
        tpu.yield
      }) : () -> ()
      %dma_start3A_170 = arith.constant 0 : i32
      %dma_start3A_171 = arith.constant 0 : i32
      %dma_start3A_172 = arith.constant 0 : i32
      %dma_start3A_173 = tpu.memref_slice %arg9[%dma_start3A_171, %dma_start3A_172] : memref<256x32xf32, #tpu.memory_space<vmem>> -> memref<128x32xf32, #tpu.memory_space<vmem>>
      %dma_start3A_174 = arith.constant 0 : i32
      %dma_start3A_175 = tpu.memref_slice %arg7[%dma_start3A_170, %dma_start3A_174] : memref<2x128xi32, #tpu.memory_space<vmem>> -> memref<1x128xi32, #tpu.memory_space<vmem>>
      %dma_start3A_176 = tpu.memref_squeeze %dma_start3A_175 : memref<1x128xi32, #tpu.memory_space<vmem>> -> memref<128xi32, #tpu.memory_space<vmem>>
      %dma_start3A_177 = arith.constant 0 : i32
      %dma_start3A_178 = arith.constant 0 : i32
      %dma_start3A_179 = tpu.memref_slice %arg4[%dma_start3A_177, %dma_start3A_178] : memref<100352x32xf32, #tpu.memory_space<hbm>> -> memref<100352x32xf32, #tpu.memory_space<hbm>>
      tpu.enqueue_indirect_dma source(%dma_start3A_179 : memref<100352x32xf32, #tpu.memory_space<hbm>>) target(%dma_start3A_173 : memref<128x32xf32, #tpu.memory_space<vmem>>) offsets(%dma_start3A_176 : memref<128xi32, #tpu.memory_space<vmem>>) semaphore(%arg17 : memref<!tpu.dma_semaphore, #tpu.memory_space<semaphore_mem>>)
      %dma_start3A_180 = arith.constant 1 : i32
      %dma_start3A_181 = arith.constant 128 : i32
      %dma_start3A_182 = arith.constant 0 : i32
      %dma_start3A_183 = tpu.memref_slice %arg9[%dma_start3A_181, %dma_start3A_182] : memref<256x32xf32, #tpu.memory_space<vmem>> -> memref<128x32xf32, #tpu.memory_space<vmem>>
      %dma_start3A_184 = arith.constant 0 : i32
      %dma_start3A_185 = tpu.memref_slice %arg7[%dma_start3A_180, %dma_start3A_184] : memref<2x128xi32, #tpu.memory_space<vmem>> -> memref<1x128xi32, #tpu.memory_space<vmem>>
      %dma_start3A_186 = tpu.memref_squeeze %dma_start3A_185 : memref<1x128xi32, #tpu.memory_space<vmem>> -> memref<128xi32, #tpu.memory_space<vmem>>
      %dma_start3A_187 = arith.constant 0 : i32
      %dma_start3A_188 = arith.constant 0 : i32
      %dma_start3A_189 = tpu.memref_slice %arg4[%dma_start3A_187, %dma_start3A_188] : memref<100352x32xf32, #tpu.memory_space<hbm>> -> memref<100352x32xf32, #tpu.memory_space<hbm>>
      tpu.enqueue_indirect_dma source(%dma_start3A_189 : memref<100352x32xf32, #tpu.memory_space<hbm>>) target(%dma_start3A_183 : memref<128x32xf32, #tpu.memory_space<vmem>>) offsets(%dma_start3A_186 : memref<128xi32, #tpu.memory_space<vmem>>) semaphore(%arg17 : memref<!tpu.dma_semaphore, #tpu.memory_space<semaphore_mem>>)
      %dma_wait3A_190 = arith.constant 0 : i32
      %dma_wait3A_191 = arith.constant 0 : i32
      %dma_wait3A_192 = arith.constant 0 : i32
      %dma_wait3A_193 = tpu.memref_slice %arg12[%dma_wait3A_191, %dma_wait3A_192] : memref<256x32xf32, #tpu.memory_space<vmem>> -> memref<128x32xf32, #tpu.memory_space<vmem>>
      %dma_wait3A_194 = arith.constant 0 : i32
      %dma_wait3A_195 = tpu.memref_slice %arg10[%dma_wait3A_190, %dma_wait3A_194] : memref<2x128xi32, #tpu.memory_space<vmem>> -> memref<1x128xi32, #tpu.memory_space<vmem>>
      %dma_wait3A_196 = tpu.memref_squeeze %dma_wait3A_195 : memref<1x128xi32, #tpu.memory_space<vmem>> -> memref<128xi32, #tpu.memory_space<vmem>>
      %dma_wait3A_197 = arith.constant 0 : i32
      %dma_wait3A_198 = arith.constant 0 : i32
      %dma_wait3A_199 = tpu.memref_slice %arg4[%dma_wait3A_197, %dma_wait3A_198] : memref<100352x32xf32, #tpu.memory_space<hbm>> -> memref<100352x32xf32, #tpu.memory_space<hbm>>
      tpu.wait_indirect_dma semaphore(%arg18 : memref<!tpu.dma_semaphore, #tpu.memory_space<semaphore_mem>>) src(%dma_wait3A_199 : memref<100352x32xf32, #tpu.memory_space<hbm>>) dst(%dma_wait3A_193 : memref<128x32xf32, #tpu.memory_space<vmem>>)
      %dma_wait3A_200 = arith.constant 1 : i32
      %dma_wait3A_201 = arith.constant 128 : i32
      %dma_wait3A_202 = arith.constant 0 : i32
      %dma_wait3A_203 = tpu.memref_slice %arg12[%dma_wait3A_201, %dma_wait3A_202] : memref<256x32xf32, #tpu.memory_space<vmem>> -> memref<128x32xf32, #tpu.memory_space<vmem>>
      %dma_wait3A_204 = arith.constant 0 : i32
      %dma_wait3A_205 = tpu.memref_slice %arg10[%dma_wait3A_200, %dma_wait3A_204] : memref<2x128xi32, #tpu.memory_space<vmem>> -> memref<1x128xi32, #tpu.memory_space<vmem>>
      %dma_wait3A_206 = tpu.memref_squeeze %dma_wait3A_205 : memref<1x128xi32, #tpu.memory_space<vmem>> -> memref<128xi32, #tpu.memory_space<vmem>>
      %dma_wait3A_207 = arith.constant 0 : i32
      %dma_wait3A_208 = arith.constant 0 : i32
      %dma_wait3A_209 = tpu.memref_slice %arg4[%dma_wait3A_207, %dma_wait3A_208] : memref<100352x32xf32, #tpu.memory_space<hbm>> -> memref<100352x32xf32, #tpu.memory_space<hbm>>
      tpu.wait_indirect_dma semaphore(%arg18 : memref<!tpu.dma_semaphore, #tpu.memory_space<semaphore_mem>>) src(%dma_wait3A_209 : memref<100352x32xf32, #tpu.memory_space<hbm>>) dst(%dma_wait3A_203 : memref<128x32xf32, #tpu.memory_space<vmem>>)
      %run_scoped3A_210 = arith.constant 0 : i32
      "tpu.region"() ({
        %run_scoped3A_265 = tpu.sem_alloc : memref<!tpu.dma_semaphore, #tpu.memory_space<semaphore_mem>>
        %dma_start3A_266 = arith.constant 0 : i32
        %dma_start3A_267 = arith.constant 0 : i32
        %dma_start3A_268 = tpu.memref_slice %arg12[%dma_start3A_266, %dma_start3A_267] : memref<256x32xf32, #tpu.memory_space<vmem>> -> memref<128x32xf32, #tpu.memory_space<vmem>>
        %dma_start3A_269 = arith.constant 0 : i32
        %dma_start3A_270 = tpu.memref_slice %arg11[%run_scoped3A_210, %dma_start3A_269] : memref<2x128xi32, #tpu.memory_space<vmem>> -> memref<1x128xi32, #tpu.memory_space<vmem>>
        %dma_start3A_271 = tpu.memref_squeeze %dma_start3A_270 : memref<1x128xi32, #tpu.memory_space<vmem>> -> memref<128xi32, #tpu.memory_space<vmem>>
        %dma_start3A_272 = arith.constant 0 : i32
        %dma_start3A_273 = arith.constant 0 : i32
        %dma_start3A_274 = tpu.memref_slice %arg16[%dma_start3A_272, %dma_start3A_273] : memref<50176x32xf32, #tpu.memory_space<vmem_shared>> -> memref<50176x32xf32, #tpu.memory_space<vmem_shared>>
        tpu.enqueue_indirect_dma source(%dma_start3A_268 : memref<128x32xf32, #tpu.memory_space<vmem>>) target(%dma_start3A_274 : memref<50176x32xf32, #tpu.memory_space<vmem_shared>>) offsets(%dma_start3A_271 : memref<128xi32, #tpu.memory_space<vmem>>) semaphore(%run_scoped3A_265 : memref<!tpu.dma_semaphore, #tpu.memory_space<semaphore_mem>>) {add = true}
        %dma_wait3A_275 = arith.constant 0 : i32
        %dma_wait3A_276 = arith.constant 0 : i32
        %dma_wait3A_277 = tpu.memref_slice %arg12[%dma_wait3A_275, %dma_wait3A_276] : memref<256x32xf32, #tpu.memory_space<vmem>> -> memref<128x32xf32, #tpu.memory_space<vmem>>
        %dma_wait3A_278 = arith.constant 0 : i32
        %dma_wait3A_279 = tpu.memref_slice %arg11[%run_scoped3A_210, %dma_wait3A_278] : memref<2x128xi32, #tpu.memory_space<vmem>> -> memref<1x128xi32, #tpu.memory_space<vmem>>
        %dma_wait3A_280 = tpu.memref_squeeze %dma_wait3A_279 : memref<1x128xi32, #tpu.memory_space<vmem>> -> memref<128xi32, #tpu.memory_space<vmem>>
        %dma_wait3A_281 = arith.constant 0 : i32
        %dma_wait3A_282 = arith.constant 0 : i32
        %dma_wait3A_283 = tpu.memref_slice %arg16[%dma_wait3A_281, %dma_wait3A_282] : memref<50176x32xf32, #tpu.memory_space<vmem_shared>> -> memref<50176x32xf32, #tpu.memory_space<vmem_shared>>
        tpu.wait_indirect_dma semaphore(%run_scoped3A_265 : memref<!tpu.dma_semaphore, #tpu.memory_space<semaphore_mem>>) src(%dma_wait3A_277 : memref<128x32xf32, #tpu.memory_space<vmem>>) dst(%dma_wait3A_283 : memref<50176x32xf32, #tpu.memory_space<vmem_shared>>)
        tpu.yield
      }) : () -> ()
      %run_scoped3A_211 = arith.constant 1 : i32
      "tpu.region"() ({
        %run_scoped3A_265 = tpu.sem_alloc : memref<!tpu.dma_semaphore, #tpu.memory_space<semaphore_mem>>
        %dma_start3A_266 = arith.constant 128 : i32
        %dma_start3A_267 = arith.constant 0 : i32
        %dma_start3A_268 = tpu.memref_slice %arg12[%dma_start3A_266, %dma_start3A_267] : memref<256x32xf32, #tpu.memory_space<vmem>> -> memref<128x32xf32, #tpu.memory_space<vmem>>
        %dma_start3A_269 = arith.constant 0 : i32
        %dma_start3A_270 = tpu.memref_slice %arg11[%run_scoped3A_211, %dma_start3A_269] : memref<2x128xi32, #tpu.memory_space<vmem>> -> memref<1x128xi32, #tpu.memory_space<vmem>>
        %dma_start3A_271 = tpu.memref_squeeze %dma_start3A_270 : memref<1x128xi32, #tpu.memory_space<vmem>> -> memref<128xi32, #tpu.memory_space<vmem>>
        %dma_start3A_272 = arith.constant 0 : i32
        %dma_start3A_273 = arith.constant 0 : i32
        %dma_start3A_274 = tpu.memref_slice %arg16[%dma_start3A_272, %dma_start3A_273] : memref<50176x32xf32, #tpu.memory_space<vmem_shared>> -> memref<50176x32xf32, #tpu.memory_space<vmem_shared>>
        tpu.enqueue_indirect_dma source(%dma_start3A_268 : memref<128x32xf32, #tpu.memory_space<vmem>>) target(%dma_start3A_274 : memref<50176x32xf32, #tpu.memory_space<vmem_shared>>) offsets(%dma_start3A_271 : memref<128xi32, #tpu.memory_space<vmem>>) semaphore(%run_scoped3A_265 : memref<!tpu.dma_semaphore, #tpu.memory_space<semaphore_mem>>) {add = true}
        %dma_wait3A_275 = arith.constant 128 : i32
        %dma_wait3A_276 = arith.constant 0 : i32
        %dma_wait3A_277 = tpu.memref_slice %arg12[%dma_wait3A_275, %dma_wait3A_276] : memref<256x32xf32, #tpu.memory_space<vmem>> -> memref<128x32xf32, #tpu.memory_space<vmem>>
        %dma_wait3A_278 = arith.constant 0 : i32
        %dma_wait3A_279 = tpu.memref_slice %arg11[%run_scoped3A_211, %dma_wait3A_278] : memref<2x128xi32, #tpu.memory_space<vmem>> -> memref<1x128xi32, #tpu.memory_space<vmem>>
        %dma_wait3A_280 = tpu.memref_squeeze %dma_wait3A_279 : memref<1x128xi32, #tpu.memory_space<vmem>> -> memref<128xi32, #tpu.memory_space<vmem>>
        %dma_wait3A_281 = arith.constant 0 : i32
        %dma_wait3A_282 = arith.constant 0 : i32
        %dma_wait3A_283 = tpu.memref_slice %arg16[%dma_wait3A_281, %dma_wait3A_282] : memref<50176x32xf32, #tpu.memory_space<vmem_shared>> -> memref<50176x32xf32, #tpu.memory_space<vmem_shared>>
        tpu.wait_indirect_dma semaphore(%run_scoped3A_265 : memref<!tpu.dma_semaphore, #tpu.memory_space<semaphore_mem>>) src(%dma_wait3A_277 : memref<128x32xf32, #tpu.memory_space<vmem>>) dst(%dma_wait3A_283 : memref<50176x32xf32, #tpu.memory_space<vmem_shared>>)
        tpu.yield
      }) : () -> ()
      %mul3A_212 = arith.constant 3 : i32
      %mul3A_213 = arith.muli %mul3A_212, %scan3A_106 : i32
      %add3A_214 = arith.constant 4 : i32
      %add3A_215 = arith.addi %mul3A_213, %add3A_214 : i32
      %mul3A_216 = arith.constant 2 : i32
      %mul3A_217 = arith.muli %add3A_215, %mul3A_216 : i32
      %add3A_218 = arith.addi %mul3A_4, %mul3A_217 : i32
      %mul3A_219 = arith.constant 6400 : i32
      %mul3A_220 = arith.muli %arg0, %mul3A_219 : i32
      %add3A_221 = arith.addi %mul3A_220, %add3A_218 : i32
      "tpu.region"() ({
        %run_scoped3A_265 = tpu.sem_alloc : memref<!tpu.dma_semaphore, #tpu.memory_space<semaphore_mem>>
        %dma_start3A_266 = arith.constant 0 : i32
        %dma_start3A_267 = tpu.memref_slice %arg2[%add3A_221, %dma_start3A_266] : memref<12800x128xi32, #tpu.memory_space<hbm>> -> memref<2x128xi32, #tpu.memory_space<hbm>>
        %dma_start3A_268 = arith.constant 0 : i32
        %dma_start3A_269 = tpu.memref_slice %arg2[%add3A_221, %dma_start3A_268] : memref<12800x128xi32, #tpu.memory_space<hbm>> -> memref<2x128xi32, #tpu.memory_space<hbm>>
        tpu.enqueue_dma source(%dma_start3A_269 : memref<2x128xi32, #tpu.memory_space<hbm>>) target(%arg10 : memref<2x128xi32, #tpu.memory_space<vmem>>) target_semaphore(%run_scoped3A_265 : memref<!tpu.dma_semaphore, #tpu.memory_space<semaphore_mem>>)
        %dma_wait3A_270 = arith.constant 0 : i32
        %dma_wait3A_271 = tpu.memref_slice %arg2[%add3A_221, %dma_wait3A_270] : memref<12800x128xi32, #tpu.memory_space<hbm>> -> memref<2x128xi32, #tpu.memory_space<hbm>>
        %dma_wait3A_272 = arith.constant 0 : i32
        %dma_wait3A_273 = tpu.memref_slice %arg2[%add3A_221, %dma_wait3A_272] : memref<12800x128xi32, #tpu.memory_space<hbm>> -> memref<2x128xi32, #tpu.memory_space<hbm>>
        tpu.wait_dma2 semaphore(%run_scoped3A_265 : memref<!tpu.dma_semaphore, #tpu.memory_space<semaphore_mem>>) src(%dma_wait3A_273 : memref<2x128xi32, #tpu.memory_space<hbm>>) dst(%arg10 : memref<2x128xi32, #tpu.memory_space<vmem>>)
        tpu.yield
      }) : () -> ()
      "tpu.region"() ({
        %run_scoped3A_265 = tpu.sem_alloc : memref<!tpu.dma_semaphore, #tpu.memory_space<semaphore_mem>>
        %dma_start3A_266 = arith.constant 0 : i32
        %dma_start3A_267 = tpu.memref_slice %arg3[%add3A_218, %dma_start3A_266] : memref<6400x128xi32, #tpu.memory_space<hbm>> -> memref<2x128xi32, #tpu.memory_space<hbm>>
        %dma_start3A_268 = arith.constant 0 : i32
        %dma_start3A_269 = tpu.memref_slice %arg3[%add3A_218, %dma_start3A_268] : memref<6400x128xi32, #tpu.memory_space<hbm>> -> memref<2x128xi32, #tpu.memory_space<hbm>>
        tpu.enqueue_dma source(%dma_start3A_269 : memref<2x128xi32, #tpu.memory_space<hbm>>) target(%arg11 : memref<2x128xi32, #tpu.memory_space<vmem>>) target_semaphore(%run_scoped3A_265 : memref<!tpu.dma_semaphore, #tpu.memory_space<semaphore_mem>>)
        %dma_wait3A_270 = arith.constant 0 : i32
        %dma_wait3A_271 = tpu.memref_slice %arg3[%add3A_218, %dma_wait3A_270] : memref<6400x128xi32, #tpu.memory_space<hbm>> -> memref<2x128xi32, #tpu.memory_space<hbm>>
        %dma_wait3A_272 = arith.constant 0 : i32
        %dma_wait3A_273 = tpu.memref_slice %arg3[%add3A_218, %dma_wait3A_272] : memref<6400x128xi32, #tpu.memory_space<hbm>> -> memref<2x128xi32, #tpu.memory_space<hbm>>
        tpu.wait_dma2 semaphore(%run_scoped3A_265 : memref<!tpu.dma_semaphore, #tpu.memory_space<semaphore_mem>>) src(%dma_wait3A_273 : memref<2x128xi32, #tpu.memory_space<hbm>>) dst(%arg11 : memref<2x128xi32, #tpu.memory_space<vmem>>)
        tpu.yield
      }) : () -> ()
      %dma_start3A_222 = arith.constant 0 : i32
      %dma_start3A_223 = arith.constant 0 : i32
      %dma_start3A_224 = arith.constant 0 : i32
      %dma_start3A_225 = tpu.memref_slice %arg12[%dma_start3A_223, %dma_start3A_224] : memref<256x32xf32, #tpu.memory_space<vmem>> -> memref<128x32xf32, #tpu.memory_space<vmem>>
      %dma_start3A_226 = arith.constant 0 : i32
      %dma_start3A_227 = tpu.memref_slice %arg10[%dma_start3A_222, %dma_start3A_226] : memref<2x128xi32, #tpu.memory_space<vmem>> -> memref<1x128xi32, #tpu.memory_space<vmem>>
      %dma_start3A_228 = tpu.memref_squeeze %dma_start3A_227 : memref<1x128xi32, #tpu.memory_space<vmem>> -> memref<128xi32, #tpu.memory_space<vmem>>
      %dma_start3A_229 = arith.constant 0 : i32
      %dma_start3A_230 = arith.constant 0 : i32
      %dma_start3A_231 = tpu.memref_slice %arg4[%dma_start3A_229, %dma_start3A_230] : memref<100352x32xf32, #tpu.memory_space<hbm>> -> memref<100352x32xf32, #tpu.memory_space<hbm>>
      tpu.enqueue_indirect_dma source(%dma_start3A_231 : memref<100352x32xf32, #tpu.memory_space<hbm>>) target(%dma_start3A_225 : memref<128x32xf32, #tpu.memory_space<vmem>>) offsets(%dma_start3A_228 : memref<128xi32, #tpu.memory_space<vmem>>) semaphore(%arg18 : memref<!tpu.dma_semaphore, #tpu.memory_space<semaphore_mem>>)
      %dma_start3A_232 = arith.constant 1 : i32
      %dma_start3A_233 = arith.constant 128 : i32
      %dma_start3A_234 = arith.constant 0 : i32
      %dma_start3A_235 = tpu.memref_slice %arg12[%dma_start3A_233, %dma_start3A_234] : memref<256x32xf32, #tpu.memory_space<vmem>> -> memref<128x32xf32, #tpu.memory_space<vmem>>
      %dma_start3A_236 = arith.constant 0 : i32
      %dma_start3A_237 = tpu.memref_slice %arg10[%dma_start3A_232, %dma_start3A_236] : memref<2x128xi32, #tpu.memory_space<vmem>> -> memref<1x128xi32, #tpu.memory_space<vmem>>
      %dma_start3A_238 = tpu.memref_squeeze %dma_start3A_237 : memref<1x128xi32, #tpu.memory_space<vmem>> -> memref<128xi32, #tpu.memory_space<vmem>>
      %dma_start3A_239 = arith.constant 0 : i32
      %dma_start3A_240 = arith.constant 0 : i32
      %dma_start3A_241 = tpu.memref_slice %arg4[%dma_start3A_239, %dma_start3A_240] : memref<100352x32xf32, #tpu.memory_space<hbm>> -> memref<100352x32xf32, #tpu.memory_space<hbm>>
      tpu.enqueue_indirect_dma source(%dma_start3A_241 : memref<100352x32xf32, #tpu.memory_space<hbm>>) target(%dma_start3A_235 : memref<128x32xf32, #tpu.memory_space<vmem>>) offsets(%dma_start3A_238 : memref<128xi32, #tpu.memory_space<vmem>>) semaphore(%arg18 : memref<!tpu.dma_semaphore, #tpu.memory_space<semaphore_mem>>)
      %dma_wait3A_242 = arith.constant 0 : i32
      %dma_wait3A_243 = arith.constant 0 : i32
      %dma_wait3A_244 = arith.constant 0 : i32
      %dma_wait3A_245 = tpu.memref_slice %arg15[%dma_wait3A_243, %dma_wait3A_244] : memref<256x32xf32, #tpu.memory_space<vmem>> -> memref<128x32xf32, #tpu.memory_space<vmem>>
      %dma_wait3A_246 = arith.constant 0 : i32
      %dma_wait3A_247 = tpu.memref_slice %arg13[%dma_wait3A_242, %dma_wait3A_246] : memref<2x128xi32, #tpu.memory_space<vmem>> -> memref<1x128xi32, #tpu.memory_space<vmem>>
      %dma_wait3A_248 = tpu.memref_squeeze %dma_wait3A_247 : memref<1x128xi32, #tpu.memory_space<vmem>> -> memref<128xi32, #tpu.memory_space<vmem>>
      %dma_wait3A_249 = arith.constant 0 : i32
      %dma_wait3A_250 = arith.constant 0 : i32
      %dma_wait3A_251 = tpu.memref_slice %arg4[%dma_wait3A_249, %dma_wait3A_250] : memref<100352x32xf32, #tpu.memory_space<hbm>> -> memref<100352x32xf32, #tpu.memory_space<hbm>>
      tpu.wait_indirect_dma semaphore(%arg19 : memref<!tpu.dma_semaphore, #tpu.memory_space<semaphore_mem>>) src(%dma_wait3A_251 : memref<100352x32xf32, #tpu.memory_space<hbm>>) dst(%dma_wait3A_245 : memref<128x32xf32, #tpu.memory_space<vmem>>)
      %dma_wait3A_252 = arith.constant 1 : i32
      %dma_wait3A_253 = arith.constant 128 : i32
      %dma_wait3A_254 = arith.constant 0 : i32
      %dma_wait3A_255 = tpu.memref_slice %arg15[%dma_wait3A_253, %dma_wait3A_254] : memref<256x32xf32, #tpu.memory_space<vmem>> -> memref<128x32xf32, #tpu.memory_space<vmem>>
      %dma_wait3A_256 = arith.constant 0 : i32
      %dma_wait3A_257 = tpu.memref_slice %arg13[%dma_wait3A_252, %dma_wait3A_256] : memref<2x128xi32, #tpu.memory_space<vmem>> -> memref<1x128xi32, #tpu.memory_space<vmem>>
      %dma_wait3A_258 = tpu.memref_squeeze %dma_wait3A_257 : memref<1x128xi32, #tpu.memory_space<vmem>> -> memref<128xi32, #tpu.memory_space<vmem>>
      %dma_wait3A_259 = arith.constant 0 : i32
      %dma_wait3A_260 = arith.constant 0 : i32
      %dma_wait3A_261 = tpu.memref_slice %arg4[%dma_wait3A_259, %dma_wait3A_260] : memref<100352x32xf32, #tpu.memory_space<hbm>> -> memref<100352x32xf32, #tpu.memory_space<hbm>>
      tpu.wait_indirect_dma semaphore(%arg19 : memref<!tpu.dma_semaphore, #tpu.memory_space<semaphore_mem>>) src(%dma_wait3A_261 : memref<100352x32xf32, #tpu.memory_space<hbm>>) dst(%dma_wait3A_255 : memref<128x32xf32, #tpu.memory_space<vmem>>)
      %run_scoped3A_262 = arith.constant 0 : i32
      "tpu.region"() ({
        %run_scoped3A_265 = tpu.sem_alloc : memref<!tpu.dma_semaphore, #tpu.memory_space<semaphore_mem>>
        %dma_start3A_266 = arith.constant 0 : i32
        %dma_start3A_267 = arith.constant 0 : i32
        %dma_start3A_268 = tpu.memref_slice %arg15[%dma_start3A_266, %dma_start3A_267] : memref<256x32xf32, #tpu.memory_space<vmem>> -> memref<128x32xf32, #tpu.memory_space<vmem>>
        %dma_start3A_269 = arith.constant 0 : i32
        %dma_start3A_270 = tpu.memref_slice %arg14[%run_scoped3A_262, %dma_start3A_269] : memref<2x128xi32, #tpu.memory_space<vmem>> -> memref<1x128xi32, #tpu.memory_space<vmem>>
        %dma_start3A_271 = tpu.memref_squeeze %dma_start3A_270 : memref<1x128xi32, #tpu.memory_space<vmem>> -> memref<128xi32, #tpu.memory_space<vmem>>
        %dma_start3A_272 = arith.constant 0 : i32
        %dma_start3A_273 = arith.constant 0 : i32
        %dma_start3A_274 = tpu.memref_slice %arg16[%dma_start3A_272, %dma_start3A_273] : memref<50176x32xf32, #tpu.memory_space<vmem_shared>> -> memref<50176x32xf32, #tpu.memory_space<vmem_shared>>
        tpu.enqueue_indirect_dma source(%dma_start3A_268 : memref<128x32xf32, #tpu.memory_space<vmem>>) target(%dma_start3A_274 : memref<50176x32xf32, #tpu.memory_space<vmem_shared>>) offsets(%dma_start3A_271 : memref<128xi32, #tpu.memory_space<vmem>>) semaphore(%run_scoped3A_265 : memref<!tpu.dma_semaphore, #tpu.memory_space<semaphore_mem>>) {add = true}
        %dma_wait3A_275 = arith.constant 0 : i32
        %dma_wait3A_276 = arith.constant 0 : i32
        %dma_wait3A_277 = tpu.memref_slice %arg15[%dma_wait3A_275, %dma_wait3A_276] : memref<256x32xf32, #tpu.memory_space<vmem>> -> memref<128x32xf32, #tpu.memory_space<vmem>>
        %dma_wait3A_278 = arith.constant 0 : i32
        %dma_wait3A_279 = tpu.memref_slice %arg14[%run_scoped3A_262, %dma_wait3A_278] : memref<2x128xi32, #tpu.memory_space<vmem>> -> memref<1x128xi32, #tpu.memory_space<vmem>>
        %dma_wait3A_280 = tpu.memref_squeeze %dma_wait3A_279 : memref<1x128xi32, #tpu.memory_space<vmem>> -> memref<128xi32, #tpu.memory_space<vmem>>
        %dma_wait3A_281 = arith.constant 0 : i32
        %dma_wait3A_282 = arith.constant 0 : i32
        %dma_wait3A_283 = tpu.memref_slice %arg16[%dma_wait3A_281, %dma_wait3A_282] : memref<50176x32xf32, #tpu.memory_space<vmem_shared>> -> memref<50176x32xf32, #tpu.memory_space<vmem_shared>>
        tpu.wait_indirect_dma semaphore(%run_scoped3A_265 : memref<!tpu.dma_semaphore, #tpu.memory_space<semaphore_mem>>) src(%dma_wait3A_277 : memref<128x32xf32, #tpu.memory_space<vmem>>) dst(%dma_wait3A_283 : memref<50176x32xf32, #tpu.memory_space<vmem_shared>>)
        tpu.yield
      }) : () -> ()
      %run_scoped3A_263 = arith.constant 1 : i32
      "tpu.region"() ({
        %run_scoped3A_265 = tpu.sem_alloc : memref<!tpu.dma_semaphore, #tpu.memory_space<semaphore_mem>>
        %dma_start3A_266 = arith.constant 128 : i32
        %dma_start3A_267 = arith.constant 0 : i32
        %dma_start3A_268 = tpu.memref_slice %arg15[%dma_start3A_266, %dma_start3A_267] : memref<256x32xf32, #tpu.memory_space<vmem>> -> memref<128x32xf32, #tpu.memory_space<vmem>>
        %dma_start3A_269 = arith.constant 0 : i32
        %dma_start3A_270 = tpu.memref_slice %arg14[%run_scoped3A_263, %dma_start3A_269] : memref<2x128xi32, #tpu.memory_space<vmem>> -> memref<1x128xi32, #tpu.memory_space<vmem>>
        %dma_start3A_271 = tpu.memref_squeeze %dma_start3A_270 : memref<1x128xi32, #tpu.memory_space<vmem>> -> memref<128xi32, #tpu.memory_space<vmem>>
        %dma_start3A_272 = arith.constant 0 : i32
        %dma_start3A_273 = arith.constant 0 : i32
        %dma_start3A_274 = tpu.memref_slice %arg16[%dma_start3A_272, %dma_start3A_273] : memref<50176x32xf32, #tpu.memory_space<vmem_shared>> -> memref<50176x32xf32, #tpu.memory_space<vmem_shared>>
        tpu.enqueue_indirect_dma source(%dma_start3A_268 : memref<128x32xf32, #tpu.memory_space<vmem>>) target(%dma_start3A_274 : memref<50176x32xf32, #tpu.memory_space<vmem_shared>>) offsets(%dma_start3A_271 : memref<128xi32, #tpu.memory_space<vmem>>) semaphore(%run_scoped3A_265 : memref<!tpu.dma_semaphore, #tpu.memory_space<semaphore_mem>>) {add = true}
        %dma_wait3A_275 = arith.constant 128 : i32
        %dma_wait3A_276 = arith.constant 0 : i32
        %dma_wait3A_277 = tpu.memref_slice %arg15[%dma_wait3A_275, %dma_wait3A_276] : memref<256x32xf32, #tpu.memory_space<vmem>> -> memref<128x32xf32, #tpu.memory_space<vmem>>
        %dma_wait3A_278 = arith.constant 0 : i32
        %dma_wait3A_279 = tpu.memref_slice %arg14[%run_scoped3A_263, %dma_wait3A_278] : memref<2x128xi32, #tpu.memory_space<vmem>> -> memref<1x128xi32, #tpu.memory_space<vmem>>
        %dma_wait3A_280 = tpu.memref_squeeze %dma_wait3A_279 : memref<1x128xi32, #tpu.memory_space<vmem>> -> memref<128xi32, #tpu.memory_space<vmem>>
        %dma_wait3A_281 = arith.constant 0 : i32
        %dma_wait3A_282 = arith.constant 0 : i32
        %dma_wait3A_283 = tpu.memref_slice %arg16[%dma_wait3A_281, %dma_wait3A_282] : memref<50176x32xf32, #tpu.memory_space<vmem_shared>> -> memref<50176x32xf32, #tpu.memory_space<vmem_shared>>
        tpu.wait_indirect_dma semaphore(%run_scoped3A_265 : memref<!tpu.dma_semaphore, #tpu.memory_space<semaphore_mem>>) src(%dma_wait3A_277 : memref<128x32xf32, #tpu.memory_space<vmem>>) dst(%dma_wait3A_283 : memref<50176x32xf32, #tpu.memory_space<vmem_shared>>)
        tpu.yield
      }) : () -> ()
      %scan3A_264 = arith.constant 0 : i32
      scf.yield %scan3A_264 : i32
    }
    %scan3A_58 = arith.constant 66 : i32
    %dma_wait3A = arith.constant 0 : i32
    %dma_wait3A_59 = arith.constant 0 : i32
    %dma_wait3A_60 = arith.constant 0 : i32
    %dma_wait3A_61 = tpu.memref_slice %arg9[%dma_wait3A_59, %dma_wait3A_60] : memref<256x32xf32, #tpu.memory_space<vmem>> -> memref<128x32xf32, #tpu.memory_space<vmem>>
    %dma_wait3A_62 = arith.constant 0 : i32
    %dma_wait3A_63 = tpu.memref_slice %arg7[%dma_wait3A, %dma_wait3A_62] : memref<2x128xi32, #tpu.memory_space<vmem>> -> memref<1x128xi32, #tpu.memory_space<vmem>>
    %dma_wait3A_64 = tpu.memref_squeeze %dma_wait3A_63 : memref<1x128xi32, #tpu.memory_space<vmem>> -> memref<128xi32, #tpu.memory_space<vmem>>
    %dma_wait3A_65 = arith.constant 0 : i32
    %dma_wait3A_66 = arith.constant 0 : i32
    %dma_wait3A_67 = tpu.memref_slice %arg4[%dma_wait3A_65, %dma_wait3A_66] : memref<100352x32xf32, #tpu.memory_space<hbm>> -> memref<100352x32xf32, #tpu.memory_space<hbm>>
    tpu.wait_indirect_dma semaphore(%arg17 : memref<!tpu.dma_semaphore, #tpu.memory_space<semaphore_mem>>) src(%dma_wait3A_67 : memref<100352x32xf32, #tpu.memory_space<hbm>>) dst(%dma_wait3A_61 : memref<128x32xf32, #tpu.memory_space<vmem>>)
    %dma_wait3A_68 = arith.constant 1 : i32
    %dma_wait3A_69 = arith.constant 128 : i32
    %dma_wait3A_70 = arith.constant 0 : i32
    %dma_wait3A_71 = tpu.memref_slice %arg9[%dma_wait3A_69, %dma_wait3A_70] : memref<256x32xf32, #tpu.memory_space<vmem>> -> memref<128x32xf32, #tpu.memory_space<vmem>>
    %dma_wait3A_72 = arith.constant 0 : i32
    %dma_wait3A_73 = tpu.memref_slice %arg7[%dma_wait3A_68, %dma_wait3A_72] : memref<2x128xi32, #tpu.memory_space<vmem>> -> memref<1x128xi32, #tpu.memory_space<vmem>>
    %dma_wait3A_74 = tpu.memref_squeeze %dma_wait3A_73 : memref<1x128xi32, #tpu.memory_space<vmem>> -> memref<128xi32, #tpu.memory_space<vmem>>
    %dma_wait3A_75 = arith.constant 0 : i32
    %dma_wait3A_76 = arith.constant 0 : i32
    %dma_wait3A_77 = tpu.memref_slice %arg4[%dma_wait3A_75, %dma_wait3A_76] : memref<100352x32xf32, #tpu.memory_space<hbm>> -> memref<100352x32xf32, #tpu.memory_space<hbm>>
    tpu.wait_indirect_dma semaphore(%arg17 : memref<!tpu.dma_semaphore, #tpu.memory_space<semaphore_mem>>) src(%dma_wait3A_77 : memref<100352x32xf32, #tpu.memory_space<hbm>>) dst(%dma_wait3A_71 : memref<128x32xf32, #tpu.memory_space<vmem>>)
    %run_scoped3A = arith.constant 0 : i32
    "tpu.region"() ({
      %run_scoped3A_106 = tpu.sem_alloc : memref<!tpu.dma_semaphore, #tpu.memory_space<semaphore_mem>>
      %dma_start3A_107 = arith.constant 0 : i32
      %dma_start3A_108 = arith.constant 0 : i32
      %dma_start3A_109 = tpu.memref_slice %arg9[%dma_start3A_107, %dma_start3A_108] : memref<256x32xf32, #tpu.memory_space<vmem>> -> memref<128x32xf32, #tpu.memory_space<vmem>>
      %dma_start3A_110 = arith.constant 0 : i32
      %dma_start3A_111 = tpu.memref_slice %arg8[%run_scoped3A, %dma_start3A_110] : memref<2x128xi32, #tpu.memory_space<vmem>> -> memref<1x128xi32, #tpu.memory_space<vmem>>
      %dma_start3A_112 = tpu.memref_squeeze %dma_start3A_111 : memref<1x128xi32, #tpu.memory_space<vmem>> -> memref<128xi32, #tpu.memory_space<vmem>>
      %dma_start3A_113 = arith.constant 0 : i32
      %dma_start3A_114 = arith.constant 0 : i32
      %dma_start3A_115 = tpu.memref_slice %arg16[%dma_start3A_113, %dma_start3A_114] : memref<50176x32xf32, #tpu.memory_space<vmem_shared>> -> memref<50176x32xf32, #tpu.memory_space<vmem_shared>>
      tpu.enqueue_indirect_dma source(%dma_start3A_109 : memref<128x32xf32, #tpu.memory_space<vmem>>) target(%dma_start3A_115 : memref<50176x32xf32, #tpu.memory_space<vmem_shared>>) offsets(%dma_start3A_112 : memref<128xi32, #tpu.memory_space<vmem>>) semaphore(%run_scoped3A_106 : memref<!tpu.dma_semaphore, #tpu.memory_space<semaphore_mem>>) {add = true}
      %dma_wait3A_116 = arith.constant 0 : i32
      %dma_wait3A_117 = arith.constant 0 : i32
      %dma_wait3A_118 = tpu.memref_slice %arg9[%dma_wait3A_116, %dma_wait3A_117] : memref<256x32xf32, #tpu.memory_space<vmem>> -> memref<128x32xf32, #tpu.memory_space<vmem>>
      %dma_wait3A_119 = arith.constant 0 : i32
      %dma_wait3A_120 = tpu.memref_slice %arg8[%run_scoped3A, %dma_wait3A_119] : memref<2x128xi32, #tpu.memory_space<vmem>> -> memref<1x128xi32, #tpu.memory_space<vmem>>
      %dma_wait3A_121 = tpu.memref_squeeze %dma_wait3A_120 : memref<1x128xi32, #tpu.memory_space<vmem>> -> memref<128xi32, #tpu.memory_space<vmem>>
      %dma_wait3A_122 = arith.constant 0 : i32
      %dma_wait3A_123 = arith.constant 0 : i32
      %dma_wait3A_124 = tpu.memref_slice %arg16[%dma_wait3A_122, %dma_wait3A_123] : memref<50176x32xf32, #tpu.memory_space<vmem_shared>> -> memref<50176x32xf32, #tpu.memory_space<vmem_shared>>
      tpu.wait_indirect_dma semaphore(%run_scoped3A_106 : memref<!tpu.dma_semaphore, #tpu.memory_space<semaphore_mem>>) src(%dma_wait3A_118 : memref<128x32xf32, #tpu.memory_space<vmem>>) dst(%dma_wait3A_124 : memref<50176x32xf32, #tpu.memory_space<vmem_shared>>)
      tpu.yield
    }) : () -> ()
    %run_scoped3A_78 = arith.constant 1 : i32
    "tpu.region"() ({
      %run_scoped3A_106 = tpu.sem_alloc : memref<!tpu.dma_semaphore, #tpu.memory_space<semaphore_mem>>
      %dma_start3A_107 = arith.constant 128 : i32
      %dma_start3A_108 = arith.constant 0 : i32
      %dma_start3A_109 = tpu.memref_slice %arg9[%dma_start3A_107, %dma_start3A_108] : memref<256x32xf32, #tpu.memory_space<vmem>> -> memref<128x32xf32, #tpu.memory_space<vmem>>
      %dma_start3A_110 = arith.constant 0 : i32
      %dma_start3A_111 = tpu.memref_slice %arg8[%run_scoped3A_78, %dma_start3A_110] : memref<2x128xi32, #tpu.memory_space<vmem>> -> memref<1x128xi32, #tpu.memory_space<vmem>>
      %dma_start3A_112 = tpu.memref_squeeze %dma_start3A_111 : memref<1x128xi32, #tpu.memory_space<vmem>> -> memref<128xi32, #tpu.memory_space<vmem>>
      %dma_start3A_113 = arith.constant 0 : i32
      %dma_start3A_114 = arith.constant 0 : i32
      %dma_start3A_115 = tpu.memref_slice %arg16[%dma_start3A_113, %dma_start3A_114] : memref<50176x32xf32, #tpu.memory_space<vmem_shared>> -> memref<50176x32xf32, #tpu.memory_space<vmem_shared>>
      tpu.enqueue_indirect_dma source(%dma_start3A_109 : memref<128x32xf32, #tpu.memory_space<vmem>>) target(%dma_start3A_115 : memref<50176x32xf32, #tpu.memory_space<vmem_shared>>) offsets(%dma_start3A_112 : memref<128xi32, #tpu.memory_space<vmem>>) semaphore(%run_scoped3A_106 : memref<!tpu.dma_semaphore, #tpu.memory_space<semaphore_mem>>) {add = true}
      %dma_wait3A_116 = arith.constant 128 : i32
      %dma_wait3A_117 = arith.constant 0 : i32
      %dma_wait3A_118 = tpu.memref_slice %arg9[%dma_wait3A_116, %dma_wait3A_117] : memref<256x32xf32, #tpu.memory_space<vmem>> -> memref<128x32xf32, #tpu.memory_space<vmem>>
      %dma_wait3A_119 = arith.constant 0 : i32
      %dma_wait3A_120 = tpu.memref_slice %arg8[%run_scoped3A_78, %dma_wait3A_119] : memref<2x128xi32, #tpu.memory_space<vmem>> -> memref<1x128xi32, #tpu.memory_space<vmem>>
      %dma_wait3A_121 = tpu.memref_squeeze %dma_wait3A_120 : memref<1x128xi32, #tpu.memory_space<vmem>> -> memref<128xi32, #tpu.memory_space<vmem>>
      %dma_wait3A_122 = arith.constant 0 : i32
      %dma_wait3A_123 = arith.constant 0 : i32
      %dma_wait3A_124 = tpu.memref_slice %arg16[%dma_wait3A_122, %dma_wait3A_123] : memref<50176x32xf32, #tpu.memory_space<vmem_shared>> -> memref<50176x32xf32, #tpu.memory_space<vmem_shared>>
      tpu.wait_indirect_dma semaphore(%run_scoped3A_106 : memref<!tpu.dma_semaphore, #tpu.memory_space<semaphore_mem>>) src(%dma_wait3A_118 : memref<128x32xf32, #tpu.memory_space<vmem>>) dst(%dma_wait3A_124 : memref<50176x32xf32, #tpu.memory_space<vmem_shared>>)
      tpu.yield
    }) : () -> ()
    %dma_wait3A_79 = arith.constant 0 : i32
    %dma_wait3A_80 = arith.constant 0 : i32
    %dma_wait3A_81 = arith.constant 0 : i32
    %dma_wait3A_82 = tpu.memref_slice %arg12[%dma_wait3A_80, %dma_wait3A_81] : memref<256x32xf32, #tpu.memory_space<vmem>> -> memref<128x32xf32, #tpu.memory_space<vmem>>
    %dma_wait3A_83 = arith.constant 0 : i32
    %dma_wait3A_84 = tpu.memref_slice %arg10[%dma_wait3A_79, %dma_wait3A_83] : memref<2x128xi32, #tpu.memory_space<vmem>> -> memref<1x128xi32, #tpu.memory_space<vmem>>
    %dma_wait3A_85 = tpu.memref_squeeze %dma_wait3A_84 : memref<1x128xi32, #tpu.memory_space<vmem>> -> memref<128xi32, #tpu.memory_space<vmem>>
    %dma_wait3A_86 = arith.constant 0 : i32
    %dma_wait3A_87 = arith.constant 0 : i32
    %dma_wait3A_88 = tpu.memref_slice %arg4[%dma_wait3A_86, %dma_wait3A_87] : memref<100352x32xf32, #tpu.memory_space<hbm>> -> memref<100352x32xf32, #tpu.memory_space<hbm>>
    tpu.wait_indirect_dma semaphore(%arg18 : memref<!tpu.dma_semaphore, #tpu.memory_space<semaphore_mem>>) src(%dma_wait3A_88 : memref<100352x32xf32, #tpu.memory_space<hbm>>) dst(%dma_wait3A_82 : memref<128x32xf32, #tpu.memory_space<vmem>>)
    %dma_wait3A_89 = arith.constant 1 : i32
    %dma_wait3A_90 = arith.constant 128 : i32
    %dma_wait3A_91 = arith.constant 0 : i32
    %dma_wait3A_92 = tpu.memref_slice %arg12[%dma_wait3A_90, %dma_wait3A_91] : memref<256x32xf32, #tpu.memory_space<vmem>> -> memref<128x32xf32, #tpu.memory_space<vmem>>
    %dma_wait3A_93 = arith.constant 0 : i32
    %dma_wait3A_94 = tpu.memref_slice %arg10[%dma_wait3A_89, %dma_wait3A_93] : memref<2x128xi32, #tpu.memory_space<vmem>> -> memref<1x128xi32, #tpu.memory_space<vmem>>
    %dma_wait3A_95 = tpu.memref_squeeze %dma_wait3A_94 : memref<1x128xi32, #tpu.memory_space<vmem>> -> memref<128xi32, #tpu.memory_space<vmem>>
    %dma_wait3A_96 = arith.constant 0 : i32
    %dma_wait3A_97 = arith.constant 0 : i32
    %dma_wait3A_98 = tpu.memref_slice %arg4[%dma_wait3A_96, %dma_wait3A_97] : memref<100352x32xf32, #tpu.memory_space<hbm>> -> memref<100352x32xf32, #tpu.memory_space<hbm>>
    tpu.wait_indirect_dma semaphore(%arg18 : memref<!tpu.dma_semaphore, #tpu.memory_space<semaphore_mem>>) src(%dma_wait3A_98 : memref<100352x32xf32, #tpu.memory_space<hbm>>) dst(%dma_wait3A_92 : memref<128x32xf32, #tpu.memory_space<vmem>>)
    %run_scoped3A_99 = arith.constant 0 : i32
    "tpu.region"() ({
      %run_scoped3A_106 = tpu.sem_alloc : memref<!tpu.dma_semaphore, #tpu.memory_space<semaphore_mem>>
      %dma_start3A_107 = arith.constant 0 : i32
      %dma_start3A_108 = arith.constant 0 : i32
      %dma_start3A_109 = tpu.memref_slice %arg12[%dma_start3A_107, %dma_start3A_108] : memref<256x32xf32, #tpu.memory_space<vmem>> -> memref<128x32xf32, #tpu.memory_space<vmem>>
      %dma_start3A_110 = arith.constant 0 : i32
      %dma_start3A_111 = tpu.memref_slice %arg11[%run_scoped3A_99, %dma_start3A_110] : memref<2x128xi32, #tpu.memory_space<vmem>> -> memref<1x128xi32, #tpu.memory_space<vmem>>
      %dma_start3A_112 = tpu.memref_squeeze %dma_start3A_111 : memref<1x128xi32, #tpu.memory_space<vmem>> -> memref<128xi32, #tpu.memory_space<vmem>>
      %dma_start3A_113 = arith.constant 0 : i32
      %dma_start3A_114 = arith.constant 0 : i32
      %dma_start3A_115 = tpu.memref_slice %arg16[%dma_start3A_113, %dma_start3A_114] : memref<50176x32xf32, #tpu.memory_space<vmem_shared>> -> memref<50176x32xf32, #tpu.memory_space<vmem_shared>>
      tpu.enqueue_indirect_dma source(%dma_start3A_109 : memref<128x32xf32, #tpu.memory_space<vmem>>) target(%dma_start3A_115 : memref<50176x32xf32, #tpu.memory_space<vmem_shared>>) offsets(%dma_start3A_112 : memref<128xi32, #tpu.memory_space<vmem>>) semaphore(%run_scoped3A_106 : memref<!tpu.dma_semaphore, #tpu.memory_space<semaphore_mem>>) {add = true}
      %dma_wait3A_116 = arith.constant 0 : i32
      %dma_wait3A_117 = arith.constant 0 : i32
      %dma_wait3A_118 = tpu.memref_slice %arg12[%dma_wait3A_116, %dma_wait3A_117] : memref<256x32xf32, #tpu.memory_space<vmem>> -> memref<128x32xf32, #tpu.memory_space<vmem>>
      %dma_wait3A_119 = arith.constant 0 : i32
      %dma_wait3A_120 = tpu.memref_slice %arg11[%run_scoped3A_99, %dma_wait3A_119] : memref<2x128xi32, #tpu.memory_space<vmem>> -> memref<1x128xi32, #tpu.memory_space<vmem>>
      %dma_wait3A_121 = tpu.memref_squeeze %dma_wait3A_120 : memref<1x128xi32, #tpu.memory_space<vmem>> -> memref<128xi32, #tpu.memory_space<vmem>>
      %dma_wait3A_122 = arith.constant 0 : i32
      %dma_wait3A_123 = arith.constant 0 : i32
      %dma_wait3A_124 = tpu.memref_slice %arg16[%dma_wait3A_122, %dma_wait3A_123] : memref<50176x32xf32, #tpu.memory_space<vmem_shared>> -> memref<50176x32xf32, #tpu.memory_space<vmem_shared>>
      tpu.wait_indirect_dma semaphore(%run_scoped3A_106 : memref<!tpu.dma_semaphore, #tpu.memory_space<semaphore_mem>>) src(%dma_wait3A_118 : memref<128x32xf32, #tpu.memory_space<vmem>>) dst(%dma_wait3A_124 : memref<50176x32xf32, #tpu.memory_space<vmem_shared>>)
      tpu.yield
    }) : () -> ()
    %run_scoped3A_100 = arith.constant 1 : i32
    "tpu.region"() ({
      %run_scoped3A_106 = tpu.sem_alloc : memref<!tpu.dma_semaphore, #tpu.memory_space<semaphore_mem>>
      %dma_start3A_107 = arith.constant 128 : i32
      %dma_start3A_108 = arith.constant 0 : i32
      %dma_start3A_109 = tpu.memref_slice %arg12[%dma_start3A_107, %dma_start3A_108] : memref<256x32xf32, #tpu.memory_space<vmem>> -> memref<128x32xf32, #tpu.memory_space<vmem>>
      %dma_start3A_110 = arith.constant 0 : i32
      %dma_start3A_111 = tpu.memref_slice %arg11[%run_scoped3A_100, %dma_start3A_110] : memref<2x128xi32, #tpu.memory_space<vmem>> -> memref<1x128xi32, #tpu.memory_space<vmem>>
      %dma_start3A_112 = tpu.memref_squeeze %dma_start3A_111 : memref<1x128xi32, #tpu.memory_space<vmem>> -> memref<128xi32, #tpu.memory_space<vmem>>
      %dma_start3A_113 = arith.constant 0 : i32
      %dma_start3A_114 = arith.constant 0 : i32
      %dma_start3A_115 = tpu.memref_slice %arg16[%dma_start3A_113, %dma_start3A_114] : memref<50176x32xf32, #tpu.memory_space<vmem_shared>> -> memref<50176x32xf32, #tpu.memory_space<vmem_shared>>
      tpu.enqueue_indirect_dma source(%dma_start3A_109 : memref<128x32xf32, #tpu.memory_space<vmem>>) target(%dma_start3A_115 : memref<50176x32xf32, #tpu.memory_space<vmem_shared>>) offsets(%dma_start3A_112 : memref<128xi32, #tpu.memory_space<vmem>>) semaphore(%run_scoped3A_106 : memref<!tpu.dma_semaphore, #tpu.memory_space<semaphore_mem>>) {add = true}
      %dma_wait3A_116 = arith.constant 128 : i32
      %dma_wait3A_117 = arith.constant 0 : i32
      %dma_wait3A_118 = tpu.memref_slice %arg12[%dma_wait3A_116, %dma_wait3A_117] : memref<256x32xf32, #tpu.memory_space<vmem>> -> memref<128x32xf32, #tpu.memory_space<vmem>>
      %dma_wait3A_119 = arith.constant 0 : i32
      %dma_wait3A_120 = tpu.memref_slice %arg11[%run_scoped3A_100, %dma_wait3A_119] : memref<2x128xi32, #tpu.memory_space<vmem>> -> memref<1x128xi32, #tpu.memory_space<vmem>>
      %dma_wait3A_121 = tpu.memref_squeeze %dma_wait3A_120 : memref<1x128xi32, #tpu.memory_space<vmem>> -> memref<128xi32, #tpu.memory_space<vmem>>
      %dma_wait3A_122 = arith.constant 0 : i32
      %dma_wait3A_123 = arith.constant 0 : i32
      %dma_wait3A_124 = tpu.memref_slice %arg16[%dma_wait3A_122, %dma_wait3A_123] : memref<50176x32xf32, #tpu.memory_space<vmem_shared>> -> memref<50176x32xf32, #tpu.memory_space<vmem_shared>>
      tpu.wait_indirect_dma semaphore(%run_scoped3A_106 : memref<!tpu.dma_semaphore, #tpu.memory_space<semaphore_mem>>) src(%dma_wait3A_118 : memref<128x32xf32, #tpu.memory_space<vmem>>) dst(%dma_wait3A_124 : memref<50176x32xf32, #tpu.memory_space<vmem_shared>>)
      tpu.yield
    }) : () -> ()
    %barrier3A_101 = arith.constant 0 : index
    tpu.barrier barrier_id(%barrier3A_101)
    %mul3A_102 = arith.constant 3136 : i32
    %mul3A_103 = arith.muli %arg1, %mul3A_102 : i32
    %mul3A_104 = arith.constant 3136 : i32
    %mul3A_105 = arith.muli %arg1, %mul3A_104 : i32
    "tpu.region"() ({
      %run_scoped3A_106 = tpu.sem_alloc : memref<!tpu.dma_semaphore, #tpu.memory_space<semaphore_mem>>
      %dma_start3A_107 = arith.constant 0 : i32
      %dma_start3A_108 = arith.constant 0 : i32
      %dma_start3A_109 = tpu.memref_slice %arg6[%arg0, %dma_start3A_107, %dma_start3A_108] : memref<2x50176x32xf32, #tpu.memory_space<hbm>> -> memref<1x50176x32xf32, #tpu.memory_space<hbm>>
      %dma_start3A_110 = tpu.memref_squeeze %dma_start3A_109 : memref<1x50176x32xf32, #tpu.memory_space<hbm>> -> memref<50176x32xf32, #tpu.memory_space<hbm>>
      %dma_start3A_111 = arith.constant 0 : i32
      %dma_start3A_112 = tpu.memref_slice %dma_start3A_110[%mul3A_105, %dma_start3A_111] : memref<50176x32xf32, #tpu.memory_space<hbm>> -> memref<3136x32xf32, #tpu.memory_space<hbm>>
      %dma_start3A_113 = arith.constant 0 : i32
      %dma_start3A_114 = tpu.memref_slice %arg16[%mul3A_103, %dma_start3A_113] : memref<50176x32xf32, #tpu.memory_space<vmem_shared>> -> memref<3136x32xf32, #tpu.memory_space<vmem_shared>>
      tpu.enqueue_dma source(%dma_start3A_114 : memref<3136x32xf32, #tpu.memory_space<vmem_shared>>) target(%dma_start3A_112 : memref<3136x32xf32, #tpu.memory_space<hbm>>) target_semaphore(%run_scoped3A_106 : memref<!tpu.dma_semaphore, #tpu.memory_space<semaphore_mem>>)
      %dma_wait3A_115 = arith.constant 0 : i32
      %dma_wait3A_116 = arith.constant 0 : i32
      %dma_wait3A_117 = tpu.memref_slice %arg6[%arg0, %dma_wait3A_115, %dma_wait3A_116] : memref<2x50176x32xf32, #tpu.memory_space<hbm>> -> memref<1x50176x32xf32, #tpu.memory_space<hbm>>
      %dma_wait3A_118 = tpu.memref_squeeze %dma_wait3A_117 : memref<1x50176x32xf32, #tpu.memory_space<hbm>> -> memref<50176x32xf32, #tpu.memory_space<hbm>>
      %dma_wait3A_119 = arith.constant 0 : i32
      %dma_wait3A_120 = tpu.memref_slice %dma_wait3A_118[%mul3A_105, %dma_wait3A_119] : memref<50176x32xf32, #tpu.memory_space<hbm>> -> memref<3136x32xf32, #tpu.memory_space<hbm>>
      %dma_wait3A_121 = arith.constant 0 : i32
      %dma_wait3A_122 = tpu.memref_slice %arg16[%mul3A_103, %dma_wait3A_121] : memref<50176x32xf32, #tpu.memory_space<vmem_shared>> -> memref<3136x32xf32, #tpu.memory_space<vmem_shared>>
      tpu.wait_dma2 semaphore(%run_scoped3A_106 : memref<!tpu.dma_semaphore, #tpu.memory_space<semaphore_mem>>) src(%dma_wait3A_122 : memref<3136x32xf32, #tpu.memory_space<vmem_shared>>) dst(%dma_wait3A_120 : memref<3136x32xf32, #tpu.memory_space<hbm>>)
      tpu.yield
    }) : () -> ()
    return
  }
}

module attributes {stable_mosaic.version = 14 : i64} {
  func.func @_tc_prep_a_body(%arg0: i32, %arg1: memref<32x1024xf32, #tpu.memory_space<vmem>>, %arg2: memref<1024x7xf32, #tpu.memory_space<vmem>>, %arg3: memref<7x64xf32, #tpu.memory_space<vmem>>, %arg4: memref<1024x64xf32, #tpu.memory_space<vmem>>, %arg5: memref<2x1024x32xf32, #tpu.memory_space<vmem>>, %arg6: memref<1024x1xf32, #tpu.memory_space<vmem>>) attributes {dimension_semantics = [#tpu.dimension_semantics<arbitrary>], iteration_bounds = array<i64: 49>, scalar_prefetch = 0 : i64, scratch_operands = 0 : i64, tpu.core_type = #tpu.core_type<tc>, window_params = [{transform_indices = @transform_0, window_bounds = array<i64: 32, 1024>}, {transform_indices = @transform_1, window_bounds = array<i64: 1024, 7>}, {pipeline_mode = #tpu.pipeline_mode<synchronous>, transform_indices = @transform_2, window_bounds = array<i64: 7, 64>}, {transform_indices = @transform_3, window_bounds = array<i64: 1024, 64>}, {transform_indices = @transform_4, window_bounds = array<i64: 2, 1024, 32>}, {transform_indices = @transform_5, window_bounds = array<i64: 1024, 1>}]} {
    %get3A = arith.constant 0 : index
    %get3A_0 = arith.constant 0 : index
    %get3A_1 = vector.load %arg1[%get3A, %get3A_0] : memref<32x1024xf32, #tpu.memory_space<vmem>>, vector<32x1024xf32>
    %reduce_sum3A = arith.constant dense<0.000000e+00> : vector<1024xf32>
    %reduce_sum3A_2 = vector.multi_reduction <add>, %get3A_1, %reduce_sum3A [0] : vector<32x1024xf32> to vector<1024xf32>
    %add3A = arith.constant 1.000000e+00 : f32
    %add3A_3 = vector.broadcast %add3A : f32 to vector<1024xf32>
    %add3A_4 = arith.addf %reduce_sum3A_2, %add3A_3 : vector<1024xf32>
    %rsqrt3A = math.rsqrt %add3A_4 : vector<1024xf32>
    %reshape3A = vector.shape_cast %rsqrt3A : vector<1024xf32> to vector<1024x1xf32>
    %get3A_5 = arith.constant 0 : index
    %get3A_6 = arith.constant 0 : index
    %get3A_7 = vector.load %arg2[%get3A_5, %get3A_6] : memref<1024x7xf32, #tpu.memory_space<vmem>>, vector<1024x7xf32>
    %get3A_8 = arith.constant 0 : index
    %get3A_9 = arith.constant 0 : index
    %get3A_10 = vector.load %arg3[%get3A_8, %get3A_9] : memref<7x64xf32, #tpu.memory_space<vmem>>, vector<7x64xf32>
    %dot_general3A = arith.constant dense<0.000000e+00> : vector<1024x64xf32>
    %dot_general3A_11 = tpu.matmul %get3A_7, %get3A_10, %dot_general3A {dimension_numbers = #tpu.dot_dimension_numbers<[1], [0], [0], [1], [0, 0, 1, 1], [], []>, transpose_lhs_hint = false} : vector<1024x7xf32>, vector<7x64xf32>, vector<1024x64xf32> -> vector<1024x64xf32>
    %swap3A = arith.constant 0 : index
    %swap3A_12 = arith.constant 0 : index
    %swap3A_13 = vector.load %arg4[%swap3A, %swap3A_12] : memref<1024x64xf32, #tpu.memory_space<vmem>>, vector<1024x64xf32>
    tpu.vector_store %arg4[%swap3A, %swap3A_12], %dot_general3A_11 {strides = array<i32>} : memref<1024x64xf32, #tpu.memory_space<vmem>>, vector<1024x64xf32>,
    %mul3A = vector.broadcast %reshape3A : vector<1024x1xf32> to vector<1024x64xf32>
    %mul3A_14 = arith.mulf %dot_general3A_11, %mul3A : vector<1024x64xf32>
    %slice3A = vector.extract_strided_slice %mul3A_14 {offsets = [0, 0], sizes = [1024, 32], strides = [1, 1]} : vector<1024x64xf32> to vector<1024x32xf32>
    %slice3A_15 = vector.extract_strided_slice %mul3A_14 {offsets = [0, 32], sizes = [1024, 32], strides = [1, 1]} : vector<1024x64xf32> to vector<1024x32xf32>
    %stack3A = vector.shape_cast %slice3A : vector<1024x32xf32> to vector<1x1024x32xf32>
    %stack3A_16 = vector.shape_cast %slice3A_15 : vector<1024x32xf32> to vector<1x1024x32xf32>
    %stack3A_17 = tpu.concatenate %stack3A, %stack3A_16 in 0 : vector<1x1024x32xf32>, vector<1x1024x32xf32> -> vector<2x1024x32xf32>
    %swap3A_18 = arith.constant 0 : index
    %swap3A_19 = arith.constant 0 : index
    %swap3A_20 = arith.constant 0 : index
    %swap3A_21 = vector.load %arg5[%swap3A_18, %swap3A_19, %swap3A_20] : memref<2x1024x32xf32, #tpu.memory_space<vmem>>, vector<2x1024x32xf32>
    tpu.vector_store %arg5[%swap3A_18, %swap3A_19, %swap3A_20], %stack3A_17 {strides = array<i32>} : memref<2x1024x32xf32, #tpu.memory_space<vmem>>, vector<2x1024x32xf32>,
    %swap3A_22 = arith.constant 0 : index
    %swap3A_23 = arith.constant 0 : index
    %swap3A_24 = vector.load %arg6[%swap3A_22, %swap3A_23] : memref<1024x1xf32, #tpu.memory_space<vmem>>, vector<1024x1xf32>
    tpu.vector_store %arg6[%swap3A_22, %swap3A_23], %reshape3A {strides = array<i32>} : memref<1024x1xf32, #tpu.memory_space<vmem>>, vector<1024x1xf32>,
    return
  }
  func.func @transform_0(%arg0: i32) -> (i32, i32) {
    %c0_i32 = arith.constant 0 : i32
    %c0_i32_0 = arith.constant 0 : i32
    return %c0_i32, %arg0 : i32, i32
  }
  func.func @transform_1(%arg0: i32) -> (i32, i32) {
    %c0_i32 = arith.constant 0 : i32
    %c0_i32_0 = arith.constant 0 : i32
    return %arg0, %c0_i32 : i32, i32
  }
  func.func @transform_2(%arg0: i32) -> (i32, i32) {
    %c0_i32 = arith.constant 0 : i32
    %c0_i32_0 = arith.constant 0 : i32
    %c0_i32_1 = arith.constant 0 : i32
    return %c0_i32, %c0_i32_0 : i32, i32
  }
  func.func @transform_3(%arg0: i32) -> (i32, i32) {
    %c0_i32 = arith.constant 0 : i32
    %c0_i32_0 = arith.constant 0 : i32
    return %arg0, %c0_i32 : i32, i32
  }
  func.func @transform_4(%arg0: i32) -> (i32, i32, i32) {
    %c0_i32 = arith.constant 0 : i32
    %c0_i32_0 = arith.constant 0 : i32
    %c0_i32_1 = arith.constant 0 : i32
    return %c0_i32, %arg0, %c0_i32_0 : i32, i32, i32
  }
  func.func @transform_5(%arg0: i32) -> (i32, i32) {
    %c0_i32 = arith.constant 0 : i32
    %c0_i32_0 = arith.constant 0 : i32
    return %arg0, %c0_i32 : i32, i32
  }
}

module attributes {stable_mosaic.version = 14 : i64} {
  func.func @_tc_prep_b_body(%arg0: i32, %arg1: memref<2x1000x32xf32, #tpu.memory_space<vmem>>, %arg2: memref<1000x1xf32, #tpu.memory_space<vmem>>, %arg3: memref<1000x64xf32, #tpu.memory_space<vmem>>, %arg4: memref<1x64xf32, #tpu.memory_space<vmem>>, %arg5: memref<64x384xf32, #tpu.memory_space<vmem>>, %arg6: memref<1x384xf32, #tpu.memory_space<vmem>>, %arg7: memref<1000x384xf32, #tpu.memory_space<vmem>>) attributes {dimension_semantics = [#tpu.dimension_semantics<arbitrary>], iteration_bounds = array<i64: 50>, scalar_prefetch = 0 : i64, scratch_operands = 0 : i64, tpu.core_type = #tpu.core_type<tc>, window_params = [{transform_indices = @transform_0, window_bounds = array<i64: 2, 1000, 32>}, {transform_indices = @transform_1, window_bounds = array<i64: 1000, 1>}, {transform_indices = @transform_2, window_bounds = array<i64: 1000, 64>}, {pipeline_mode = #tpu.pipeline_mode<synchronous>, transform_indices = @transform_3, window_bounds = array<i64: 1, 64>}, {pipeline_mode = #tpu.pipeline_mode<synchronous>, transform_indices = @transform_4, window_bounds = array<i64: 64, 384>}, {pipeline_mode = #tpu.pipeline_mode<synchronous>, transform_indices = @transform_5, window_bounds = array<i64: 1, 384>}, {transform_indices = @transform_6, window_bounds = array<i64: 1000, 384>}]} {
    %get3A = arith.constant 0 : index
    %get3A_0 = arith.constant 0 : index
    %get3A_1 = vector.load %arg2[%get3A, %get3A_0] : memref<1000x1xf32, #tpu.memory_space<vmem>>, vector<1000x1xf32>
    %get3A_2 = arith.constant 0 : index
    %get3A_3 = arith.constant 0 : index
    %get3A_4 = arith.constant 0 : index
    %get3A_5 = vector.load %arg1[%get3A_2, %get3A_3, %get3A_4] : memref<2x1000x32xf32, #tpu.memory_space<vmem>>, vector<1x1000x32xf32>
    %get3A_6 = vector.shape_cast %get3A_5 : vector<1x1000x32xf32> to vector<1000x32xf32>
    %get3A_7 = arith.constant 1 : index
    %get3A_8 = arith.constant 0 : index
    %get3A_9 = arith.constant 0 : index
    %get3A_10 = vector.load %arg1[%get3A_7, %get3A_8, %get3A_9] : memref<2x1000x32xf32, #tpu.memory_space<vmem>>, vector<1x1000x32xf32>
    %get3A_11 = vector.shape_cast %get3A_10 : vector<1x1000x32xf32> to vector<1000x32xf32>
    %concatenate3A = tpu.concatenate %get3A_6, %get3A_11 in 1 : vector<1000x32xf32>, vector<1000x32xf32> -> vector<1000x64xf32>
    %mul3A = vector.broadcast %get3A_1 : vector<1000x1xf32> to vector<1000x64xf32>
    %mul3A_12 = arith.mulf %concatenate3A, %mul3A : vector<1000x64xf32>
    %get3A_13 = arith.constant 0 : index
    %get3A_14 = arith.constant 0 : index
    %get3A_15 = vector.load %arg3[%get3A_13, %get3A_14] : memref<1000x64xf32, #tpu.memory_space<vmem>>, vector<1000x64xf32>
    %mul3A_16 = arith.mulf %get3A_1, %get3A_1 : vector<1000x1xf32>
    %mul3A_17 = vector.broadcast %mul3A_16 : vector<1000x1xf32> to vector<1000x64xf32>
    %mul3A_18 = arith.mulf %get3A_15, %mul3A_17 : vector<1000x64xf32>
    %add3A = arith.addf %mul3A_12, %mul3A_18 : vector<1000x64xf32>
    %get3A_19 = arith.constant 0 : index
    %get3A_20 = arith.constant 0 : index
    %get3A_21 = vector.load %arg4[%get3A_19, %get3A_20] : memref<1x64xf32, #tpu.memory_space<vmem>>, vector<1x64xf32>
    %add3A_22 = vector.broadcast %get3A_21 : vector<1x64xf32> to vector<1000x64xf32>
    %add3A_23 = arith.addf %add3A, %add3A_22 : vector<1000x64xf32>
    %get3A_24 = arith.constant 0 : index
    %get3A_25 = arith.constant 0 : index
    %get3A_26 = vector.load %arg5[%get3A_24, %get3A_25] : memref<64x384xf32, #tpu.memory_space<vmem>>, vector<64x384xf32>
    %dot_general3A = arith.constant dense<0.000000e+00> : vector<1000x384xf32>
    %dot_general3A_27 = tpu.matmul %add3A_23, %get3A_26, %dot_general3A {dimension_numbers = #tpu.dot_dimension_numbers<[1], [0], [0], [1], [0, 0, 1, 1], [], []>, transpose_lhs_hint = false} : vector<1000x64xf32>, vector<64x384xf32>, vector<1000x384xf32> -> vector<1000x384xf32>
    %get3A_28 = arith.constant 0 : index
    %get3A_29 = arith.constant 0 : index
    %get3A_30 = vector.load %arg6[%get3A_28, %get3A_29] : memref<1x384xf32, #tpu.memory_space<vmem>>, vector<1x384xf32>
    %add3A_31 = vector.broadcast %get3A_30 : vector<1x384xf32> to vector<1000x384xf32>
    %add3A_32 = arith.addf %dot_general3A_27, %add3A_31 : vector<1000x384xf32>
    %swap3A = arith.constant 0 : index
    %swap3A_33 = arith.constant 0 : index
    %swap3A_34 = vector.load %arg7[%swap3A, %swap3A_33] : memref<1000x384xf32, #tpu.memory_space<vmem>>, vector<1000x384xf32>
    tpu.vector_store %arg7[%swap3A, %swap3A_33], %add3A_32 {strides = array<i32>} : memref<1000x384xf32, #tpu.memory_space<vmem>>, vector<1000x384xf32>,
    return
  }
  func.func @transform_0(%arg0: i32) -> (i32, i32, i32) {
    %c0_i32 = arith.constant 0 : i32
    %c0_i32_0 = arith.constant 0 : i32
    %c0_i32_1 = arith.constant 0 : i32
    return %c0_i32, %arg0, %c0_i32_0 : i32, i32, i32
  }
  func.func @transform_1(%arg0: i32) -> (i32, i32) {
    %c0_i32 = arith.constant 0 : i32
    %c0_i32_0 = arith.constant 0 : i32
    return %arg0, %c0_i32 : i32, i32
  }
  func.func @transform_2(%arg0: i32) -> (i32, i32) {
    %c0_i32 = arith.constant 0 : i32
    %c0_i32_0 = arith.constant 0 : i32
    return %arg0, %c0_i32 : i32, i32
  }
  func.func @transform_3(%arg0: i32) -> (i32, i32) {
    %c0_i32 = arith.constant 0 : i32
    %c0_i32_0 = arith.constant 0 : i32
    %c0_i32_1 = arith.constant 0 : i32
    return %c0_i32, %c0_i32_0 : i32, i32
  }
  func.func @transform_4(%arg0: i32) -> (i32, i32) {
    %c0_i32 = arith.constant 0 : i32
    %c0_i32_0 = arith.constant 0 : i32
    %c0_i32_1 = arith.constant 0 : i32
    return %c0_i32, %c0_i32_0 : i32, i32
  }
  func.func @transform_5(%arg0: i32) -> (i32, i32) {
    %c0_i32 = arith.constant 0 : i32
    %c0_i32_0 = arith.constant 0 : i32
    %c0_i32_1 = arith.constant 0 : i32
    return %c0_i32, %c0_i32_0 : i32, i32
  }
  func.func @transform_6(%arg0: i32) -> (i32, i32) {
    %c0_i32 = arith.constant 0 : i32
    %c0_i32_0 = arith.constant 0 : i32
    return %arg0, %c0_i32 : i32, i32
  }
}

module attributes {stable_mosaic.version = 14 : i64} {
  func.func @_tc_gru_body(%arg0: i32, %arg1: memref<2000x384xf32, #tpu.memory_space<vmem>>, %arg2: memref<64x384xf32, #tpu.memory_space<vmem>>, %arg3: memref<1x384xf32, #tpu.memory_space<vmem>>, %arg4: memref<64x4xf32, #tpu.memory_space<vmem>>, %arg5: memref<1x4xf32, #tpu.memory_space<vmem>>, %arg6: memref<1x64xf32, #tpu.memory_space<vmem>>, %arg7: memref<2000x4xf32, #tpu.memory_space<vmem>>, %arg8: memref<1x64xf32, #tpu.memory_space<vmem>>, %arg9: memref<1x64xf32, #tpu.memory_space<vmem>>, %arg10: memref<2000x64xf32, #tpu.memory_space<vmem>>) attributes {dimension_semantics = [#tpu.dimension_semantics<arbitrary>], iteration_bounds = array<i64: 25>, scalar_prefetch = 0 : i64, scratch_operands = 2 : i64, tpu.core_type = #tpu.core_type<tc>, window_params = [{transform_indices = @transform_0, window_bounds = array<i64: 2000, 384>}, {pipeline_mode = #tpu.pipeline_mode<synchronous>, transform_indices = @transform_1, window_bounds = array<i64: 64, 384>}, {pipeline_mode = #tpu.pipeline_mode<synchronous>, transform_indices = @transform_2, window_bounds = array<i64: 1, 384>}, {pipeline_mode = #tpu.pipeline_mode<synchronous>, transform_indices = @transform_3, window_bounds = array<i64: 64, 4>}, {pipeline_mode = #tpu.pipeline_mode<synchronous>, transform_indices = @transform_4, window_bounds = array<i64: 1, 4>}, {pipeline_mode = #tpu.pipeline_mode<synchronous>, transform_indices = @transform_5, window_bounds = array<i64: 1, 64>}, {transform_indices = @transform_6, window_bounds = array<i64: 2000, 4>}, {pipeline_mode = #tpu.pipeline_mode<synchronous>, transform_indices = @transform_7, window_bounds = array<i64: 1, 64>}]} {
    %eq3A = arith.constant 0 : i32
    %eq3A_0 = arith.cmpi eq, %arg0, %eq3A : i32
    %convert_element_type3A = arith.extui %eq3A_0 : i1 to i32
    %cond3A = arith.constant 0 : i32
    %cond3A_1 = arith.cmpi ne, %convert_element_type3A, %cond3A : i32
    scf.if %cond3A_1 {
      %get3A_36 = arith.constant 0 : index
      %get3A_37 = arith.constant 0 : index
      %get3A_38 = vector.load %arg6[%get3A_36, %get3A_37] : memref<1x64xf32, #tpu.memory_space<vmem>>, vector<1x64xf32>
      %swap3A_39 = arith.constant 0 : index
      %swap3A_40 = arith.constant 0 : index
      %swap3A_41 = vector.load %arg9[%swap3A_39, %swap3A_40] : memref<1x64xf32, #tpu.memory_space<vmem>>, vector<1x64xf32>
      tpu.vector_store %arg9[%swap3A_39, %swap3A_40], %get3A_38 {strides = array<i32>} : memref<1x64xf32, #tpu.memory_space<vmem>>, vector<1x64xf32>,
    } else {
    }
    %get3A = arith.constant 0 : index
    %get3A_2 = arith.constant 0 : index
    %get3A_3 = vector.load %arg2[%get3A, %get3A_2] : memref<64x384xf32, #tpu.memory_space<vmem>>, vector<64x384xf32>
    %get3A_4 = arith.constant 0 : index
    %get3A_5 = arith.constant 0 : index
    %get3A_6 = vector.load %arg3[%get3A_4, %get3A_5] : memref<1x384xf32, #tpu.memory_space<vmem>>, vector<1x384xf32>
    %get3A_7 = arith.constant 0 : index
    %get3A_8 = arith.constant 0 : index
    %get3A_9 = vector.load %arg9[%get3A_7, %get3A_8] : memref<1x64xf32, #tpu.memory_space<vmem>>, vector<1x64xf32>
    %scan3A = arith.constant 0 : i32
    %scan3A_10 = arith.constant 2000 : i32
    %scan3A_11 = arith.addi %scan3A, %scan3A_10 : i32
    %scan3A_12 = arith.constant 4 : i32
    %scan3A_13 = scf.for %scan3A_36 = %scan3A to %scan3A_11 step %scan3A_12 iter_args(%scan3A_37 = %get3A_9) -> (vector<1x64xf32>)  : i32 {
      %get3A_38 = arith.index_cast %scan3A_36 : i32 to index
      %get3A_39 = arith.constant 0 : index
      %get3A_40 = vector.load %arg1[%get3A_38, %get3A_39] : memref<2000x384xf32, #tpu.memory_space<vmem>>, vector<1x384xf32>
      %reshape3A = vector.shape_cast %scan3A_37 : vector<1x64xf32> to vector<64x1xf32>
      %mul3A = vector.broadcast %reshape3A : vector<64x1xf32> to vector<64x384xf32>
      %mul3A_41 = arith.mulf %mul3A, %get3A_3 : vector<64x384xf32>
      %reduce_sum3A = arith.constant dense<0.000000e+00> : vector<384xf32>
      %reduce_sum3A_42 = vector.multi_reduction <add>, %mul3A_41, %reduce_sum3A [0] : vector<64x384xf32> to vector<384xf32>
      %broadcast_in_dim3A = vector.shape_cast %reduce_sum3A_42 : vector<384xf32> to vector<1x384xf32>
      %add3A_43 = arith.addf %broadcast_in_dim3A, %get3A_6 : vector<1x384xf32>
      %add3A_44 = arith.addf %get3A_40, %add3A_43 : vector<1x384xf32>
      %slice3A = vector.extract_strided_slice %add3A_44 {offsets = [0, 0], sizes = [1, 64], strides = [1, 1]} : vector<1x384xf32> to vector<1x64xf32>
      %tanh3A = math.tanh %slice3A : vector<1x64xf32>
      %slice3A_45 = vector.extract_strided_slice %add3A_44 {offsets = [0, 128], sizes = [1, 64], strides = [1, 1]} : vector<1x384xf32> to vector<1x64xf32>
      %tanh3A_46 = math.tanh %slice3A_45 : vector<1x64xf32>
      %slice3A_47 = vector.extract_strided_slice %add3A_43 {offsets = [0, 256], sizes = [1, 64], strides = [1, 1]} : vector<1x384xf32> to vector<1x64xf32>
      %slice3A_48 = vector.extract_strided_slice %add3A_44 {offsets = [0, 256], sizes = [1, 64], strides = [1, 1]} : vector<1x384xf32> to vector<1x64xf32>
      %mul3A_49 = arith.mulf %tanh3A, %slice3A_47 : vector<1x64xf32>
      %add3A_50 = arith.addf %slice3A_48, %mul3A_49 : vector<1x64xf32>
      %tanh3A_51 = math.tanh %add3A_50 : vector<1x64xf32>
      %mul3A_52 = arith.constant 5.000000e-01 : f32
      %mul3A_53 = vector.broadcast %mul3A_52 : f32 to vector<1x64xf32>
      %mul3A_54 = arith.mulf %mul3A_53, %tanh3A_46 : vector<1x64xf32>
      %add3A_55 = arith.constant 5.000000e-01 : f32
      %add3A_56 = vector.broadcast %add3A_55 : f32 to vector<1x64xf32>
      %add3A_57 = arith.addf %mul3A_54, %add3A_56 : vector<1x64xf32>
      %sub3A = arith.subf %scan3A_37, %tanh3A_51 : vector<1x64xf32>
      %mul3A_58 = arith.mulf %add3A_57, %sub3A : vector<1x64xf32>
      %add3A_59 = arith.addf %tanh3A_51, %mul3A_58 : vector<1x64xf32>
      %swap3A_60 = arith.index_cast %scan3A_36 : i32 to index
      %swap3A_61 = arith.constant 0 : index
      %swap3A_62 = vector.load %arg10[%swap3A_60, %swap3A_61] : memref<2000x64xf32, #tpu.memory_space<vmem>>, vector<1x64xf32>
      tpu.vector_store %arg10[%swap3A_60, %swap3A_61], %add3A_59 {strides = array<i32>} : memref<2000x64xf32, #tpu.memory_space<vmem>>, vector<1x64xf32>,
      %scan3A_63 = arith.constant 1 : i32
      %scan3A_64 = arith.addi %scan3A_36, %scan3A_63 : i32
      %get3A_65 = arith.index_cast %scan3A_64 : i32 to index
      %get3A_66 = arith.constant 0 : index
      %get3A_67 = vector.load %arg1[%get3A_65, %get3A_66] : memref<2000x384xf32, #tpu.memory_space<vmem>>, vector<1x384xf32>
      %reshape3A_68 = vector.shape_cast %add3A_59 : vector<1x64xf32> to vector<64x1xf32>
      %mul3A_69 = vector.broadcast %reshape3A_68 : vector<64x1xf32> to vector<64x384xf32>
      %mul3A_70 = arith.mulf %mul3A_69, %get3A_3 : vector<64x384xf32>
      %reduce_sum3A_71 = arith.constant dense<0.000000e+00> : vector<384xf32>
      %reduce_sum3A_72 = vector.multi_reduction <add>, %mul3A_70, %reduce_sum3A_71 [0] : vector<64x384xf32> to vector<384xf32>
      %broadcast_in_dim3A_73 = vector.shape_cast %reduce_sum3A_72 : vector<384xf32> to vector<1x384xf32>
      %add3A_74 = arith.addf %broadcast_in_dim3A_73, %get3A_6 : vector<1x384xf32>
      %add3A_75 = arith.addf %get3A_67, %add3A_74 : vector<1x384xf32>
      %slice3A_76 = vector.extract_strided_slice %add3A_75 {offsets = [0, 0], sizes = [1, 64], strides = [1, 1]} : vector<1x384xf32> to vector<1x64xf32>
      %tanh3A_77 = math.tanh %slice3A_76 : vector<1x64xf32>
      %slice3A_78 = vector.extract_strided_slice %add3A_75 {offsets = [0, 128], sizes = [1, 64], strides = [1, 1]} : vector<1x384xf32> to vector<1x64xf32>
      %tanh3A_79 = math.tanh %slice3A_78 : vector<1x64xf32>
      %slice3A_80 = vector.extract_strided_slice %add3A_74 {offsets = [0, 256], sizes = [1, 64], strides = [1, 1]} : vector<1x384xf32> to vector<1x64xf32>
      %slice3A_81 = vector.extract_strided_slice %add3A_75 {offsets = [0, 256], sizes = [1, 64], strides = [1, 1]} : vector<1x384xf32> to vector<1x64xf32>
      %mul3A_82 = arith.mulf %tanh3A_77, %slice3A_80 : vector<1x64xf32>
      %add3A_83 = arith.addf %slice3A_81, %mul3A_82 : vector<1x64xf32>
      %tanh3A_84 = math.tanh %add3A_83 : vector<1x64xf32>
      %mul3A_85 = arith.constant 5.000000e-01 : f32
      %mul3A_86 = vector.broadcast %mul3A_85 : f32 to vector<1x64xf32>
      %mul3A_87 = arith.mulf %mul3A_86, %tanh3A_79 : vector<1x64xf32>
      %add3A_88 = arith.constant 5.000000e-01 : f32
      %add3A_89 = vector.broadcast %add3A_88 : f32 to vector<1x64xf32>
      %add3A_90 = arith.addf %mul3A_87, %add3A_89 : vector<1x64xf32>
      %sub3A_91 = arith.subf %add3A_59, %tanh3A_84 : vector<1x64xf32>
      %mul3A_92 = arith.mulf %add3A_90, %sub3A_91 : vector<1x64xf32>
      %add3A_93 = arith.addf %tanh3A_84, %mul3A_92 : vector<1x64xf32>
      %swap3A_94 = arith.index_cast %scan3A_64 : i32 to index
      %swap3A_95 = arith.constant 0 : index
      %swap3A_96 = vector.load %arg10[%swap3A_94, %swap3A_95] : memref<2000x64xf32, #tpu.memory_space<vmem>>, vector<1x64xf32>
      tpu.vector_store %arg10[%swap3A_94, %swap3A_95], %add3A_93 {strides = array<i32>} : memref<2000x64xf32, #tpu.memory_space<vmem>>, vector<1x64xf32>,
      %scan3A_97 = arith.constant 2 : i32
      %scan3A_98 = arith.addi %scan3A_36, %scan3A_97 : i32
      %get3A_99 = arith.index_cast %scan3A_98 : i32 to index
      %get3A_100 = arith.constant 0 : index
      %get3A_101 = vector.load %arg1[%get3A_99, %get3A_100] : memref<2000x384xf32, #tpu.memory_space<vmem>>, vector<1x384xf32>
      %reshape3A_102 = vector.shape_cast %add3A_93 : vector<1x64xf32> to vector<64x1xf32>
      %mul3A_103 = vector.broadcast %reshape3A_102 : vector<64x1xf32> to vector<64x384xf32>
      %mul3A_104 = arith.mulf %mul3A_103, %get3A_3 : vector<64x384xf32>
      %reduce_sum3A_105 = arith.constant dense<0.000000e+00> : vector<384xf32>
      %reduce_sum3A_106 = vector.multi_reduction <add>, %mul3A_104, %reduce_sum3A_105 [0] : vector<64x384xf32> to vector<384xf32>
      %broadcast_in_dim3A_107 = vector.shape_cast %reduce_sum3A_106 : vector<384xf32> to vector<1x384xf32>
      %add3A_108 = arith.addf %broadcast_in_dim3A_107, %get3A_6 : vector<1x384xf32>
      %add3A_109 = arith.addf %get3A_101, %add3A_108 : vector<1x384xf32>
      %slice3A_110 = vector.extract_strided_slice %add3A_109 {offsets = [0, 0], sizes = [1, 64], strides = [1, 1]} : vector<1x384xf32> to vector<1x64xf32>
      %tanh3A_111 = math.tanh %slice3A_110 : vector<1x64xf32>
      %slice3A_112 = vector.extract_strided_slice %add3A_109 {offsets = [0, 128], sizes = [1, 64], strides = [1, 1]} : vector<1x384xf32> to vector<1x64xf32>
      %tanh3A_113 = math.tanh %slice3A_112 : vector<1x64xf32>
      %slice3A_114 = vector.extract_strided_slice %add3A_108 {offsets = [0, 256], sizes = [1, 64], strides = [1, 1]} : vector<1x384xf32> to vector<1x64xf32>
      %slice3A_115 = vector.extract_strided_slice %add3A_109 {offsets = [0, 256], sizes = [1, 64], strides = [1, 1]} : vector<1x384xf32> to vector<1x64xf32>
      %mul3A_116 = arith.mulf %tanh3A_111, %slice3A_114 : vector<1x64xf32>
      %add3A_117 = arith.addf %slice3A_115, %mul3A_116 : vector<1x64xf32>
      %tanh3A_118 = math.tanh %add3A_117 : vector<1x64xf32>
      %mul3A_119 = arith.constant 5.000000e-01 : f32
      %mul3A_120 = vector.broadcast %mul3A_119 : f32 to vector<1x64xf32>
      %mul3A_121 = arith.mulf %mul3A_120, %tanh3A_113 : vector<1x64xf32>
      %add3A_122 = arith.constant 5.000000e-01 : f32
      %add3A_123 = vector.broadcast %add3A_122 : f32 to vector<1x64xf32>
      %add3A_124 = arith.addf %mul3A_121, %add3A_123 : vector<1x64xf32>
      %sub3A_125 = arith.subf %add3A_93, %tanh3A_118 : vector<1x64xf32>
      %mul3A_126 = arith.mulf %add3A_124, %sub3A_125 : vector<1x64xf32>
      %add3A_127 = arith.addf %tanh3A_118, %mul3A_126 : vector<1x64xf32>
      %swap3A_128 = arith.index_cast %scan3A_98 : i32 to index
      %swap3A_129 = arith.constant 0 : index
      %swap3A_130 = vector.load %arg10[%swap3A_128, %swap3A_129] : memref<2000x64xf32, #tpu.memory_space<vmem>>, vector<1x64xf32>
      tpu.vector_store %arg10[%swap3A_128, %swap3A_129], %add3A_127 {strides = array<i32>} : memref<2000x64xf32, #tpu.memory_space<vmem>>, vector<1x64xf32>,
      %scan3A_131 = arith.constant 3 : i32
      %scan3A_132 = arith.addi %scan3A_36, %scan3A_131 : i32
      %get3A_133 = arith.index_cast %scan3A_132 : i32 to index
      %get3A_134 = arith.constant 0 : index
      %get3A_135 = vector.load %arg1[%get3A_133, %get3A_134] : memref<2000x384xf32, #tpu.memory_space<vmem>>, vector<1x384xf32>
      %reshape3A_136 = vector.shape_cast %add3A_127 : vector<1x64xf32> to vector<64x1xf32>
      %mul3A_137 = vector.broadcast %reshape3A_136 : vector<64x1xf32> to vector<64x384xf32>
      %mul3A_138 = arith.mulf %mul3A_137, %get3A_3 : vector<64x384xf32>
      %reduce_sum3A_139 = arith.constant dense<0.000000e+00> : vector<384xf32>
      %reduce_sum3A_140 = vector.multi_reduction <add>, %mul3A_138, %reduce_sum3A_139 [0] : vector<64x384xf32> to vector<384xf32>
      %broadcast_in_dim3A_141 = vector.shape_cast %reduce_sum3A_140 : vector<384xf32> to vector<1x384xf32>
      %add3A_142 = arith.addf %broadcast_in_dim3A_141, %get3A_6 : vector<1x384xf32>
      %add3A_143 = arith.addf %get3A_135, %add3A_142 : vector<1x384xf32>
      %slice3A_144 = vector.extract_strided_slice %add3A_143 {offsets = [0, 0], sizes = [1, 64], strides = [1, 1]} : vector<1x384xf32> to vector<1x64xf32>
      %tanh3A_145 = math.tanh %slice3A_144 : vector<1x64xf32>
      %slice3A_146 = vector.extract_strided_slice %add3A_143 {offsets = [0, 128], sizes = [1, 64], strides = [1, 1]} : vector<1x384xf32> to vector<1x64xf32>
      %tanh3A_147 = math.tanh %slice3A_146 : vector<1x64xf32>
      %slice3A_148 = vector.extract_strided_slice %add3A_142 {offsets = [0, 256], sizes = [1, 64], strides = [1, 1]} : vector<1x384xf32> to vector<1x64xf32>
      %slice3A_149 = vector.extract_strided_slice %add3A_143 {offsets = [0, 256], sizes = [1, 64], strides = [1, 1]} : vector<1x384xf32> to vector<1x64xf32>
      %mul3A_150 = arith.mulf %tanh3A_145, %slice3A_148 : vector<1x64xf32>
      %add3A_151 = arith.addf %slice3A_149, %mul3A_150 : vector<1x64xf32>
      %tanh3A_152 = math.tanh %add3A_151 : vector<1x64xf32>
      %mul3A_153 = arith.constant 5.000000e-01 : f32
      %mul3A_154 = vector.broadcast %mul3A_153 : f32 to vector<1x64xf32>
      %mul3A_155 = arith.mulf %mul3A_154, %tanh3A_147 : vector<1x64xf32>
      %add3A_156 = arith.constant 5.000000e-01 : f32
      %add3A_157 = vector.broadcast %add3A_156 : f32 to vector<1x64xf32>
      %add3A_158 = arith.addf %mul3A_155, %add3A_157 : vector<1x64xf32>
      %sub3A_159 = arith.subf %add3A_127, %tanh3A_152 : vector<1x64xf32>
      %mul3A_160 = arith.mulf %add3A_158, %sub3A_159 : vector<1x64xf32>
      %add3A_161 = arith.addf %tanh3A_152, %mul3A_160 : vector<1x64xf32>
      %swap3A_162 = arith.index_cast %scan3A_132 : i32 to index
      %swap3A_163 = arith.constant 0 : index
      %swap3A_164 = vector.load %arg10[%swap3A_162, %swap3A_163] : memref<2000x64xf32, #tpu.memory_space<vmem>>, vector<1x64xf32>
      tpu.vector_store %arg10[%swap3A_162, %swap3A_163], %add3A_161 {strides = array<i32>} : memref<2000x64xf32, #tpu.memory_space<vmem>>, vector<1x64xf32>,
      scf.yield %add3A_161 : vector<1x64xf32>
    }
    %scan3A_14 = arith.constant 2000 : i32
    %swap3A = arith.constant 0 : index
    %swap3A_15 = arith.constant 0 : index
    %swap3A_16 = vector.load %arg9[%swap3A, %swap3A_15] : memref<1x64xf32, #tpu.memory_space<vmem>>, vector<1x64xf32>
    tpu.vector_store %arg9[%swap3A, %swap3A_15], %scan3A_13 {strides = array<i32>} : memref<1x64xf32, #tpu.memory_space<vmem>>, vector<1x64xf32>,
    %get3A_17 = arith.constant 0 : index
    %get3A_18 = arith.constant 0 : index
    %get3A_19 = vector.load %arg10[%get3A_17, %get3A_18] : memref<2000x64xf32, #tpu.memory_space<vmem>>, vector<2000x64xf32>
    %get3A_20 = arith.constant 0 : index
    %get3A_21 = arith.constant 0 : index
    %get3A_22 = vector.load %arg4[%get3A_20, %get3A_21] : memref<64x4xf32, #tpu.memory_space<vmem>>, vector<64x4xf32>
    %dot_general3A = arith.constant dense<0.000000e+00> : vector<2000x4xf32>
    %dot_general3A_23 = tpu.matmul %get3A_19, %get3A_22, %dot_general3A {dimension_numbers = #tpu.dot_dimension_numbers<[1], [0], [0], [1], [0, 0, 1, 1], [], []>, transpose_lhs_hint = false} : vector<2000x64xf32>, vector<64x4xf32>, vector<2000x4xf32> -> vector<2000x4xf32>
    %get3A_24 = arith.constant 0 : index
    %get3A_25 = arith.constant 0 : index
    %get3A_26 = vector.load %arg5[%get3A_24, %get3A_25] : memref<1x4xf32, #tpu.memory_space<vmem>>, vector<1x4xf32>
    %add3A = vector.broadcast %get3A_26 : vector<1x4xf32> to vector<2000x4xf32>
    %add3A_27 = arith.addf %dot_general3A_23, %add3A : vector<2000x4xf32>
    %swap3A_28 = arith.constant 0 : index
    %swap3A_29 = arith.constant 0 : index
    %swap3A_30 = vector.load %arg7[%swap3A_28, %swap3A_29] : memref<2000x4xf32, #tpu.memory_space<vmem>>, vector<2000x4xf32>
    tpu.vector_store %arg7[%swap3A_28, %swap3A_29], %add3A_27 {strides = array<i32>} : memref<2000x4xf32, #tpu.memory_space<vmem>>, vector<2000x4xf32>,
    %eq3A_31 = arith.constant 24 : i32
    %eq3A_32 = arith.cmpi eq, %arg0, %eq3A_31 : i32
    %convert_element_type3A_33 = arith.extui %eq3A_32 : i1 to i32
    %cond3A_34 = arith.constant 0 : i32
    %cond3A_35 = arith.cmpi ne, %convert_element_type3A_33, %cond3A_34 : i32
    scf.if %cond3A_35 {
      %swap3A_36 = arith.constant 0 : index
      %swap3A_37 = arith.constant 0 : index
      %swap3A_38 = vector.load %arg8[%swap3A_36, %swap3A_37] : memref<1x64xf32, #tpu.memory_space<vmem>>, vector<1x64xf32>
      tpu.vector_store %arg8[%swap3A_36, %swap3A_37], %scan3A_13 {strides = array<i32>} : memref<1x64xf32, #tpu.memory_space<vmem>>, vector<1x64xf32>,
    } else {
    }
    return
  }
  func.func @transform_0(%arg0: i32) -> (i32, i32) {
    %c0_i32 = arith.constant 0 : i32
    %c0_i32_0 = arith.constant 0 : i32
    return %arg0, %c0_i32 : i32, i32
  }
  func.func @transform_1(%arg0: i32) -> (i32, i32) {
    %c0_i32 = arith.constant 0 : i32
    %c0_i32_0 = arith.constant 0 : i32
    %c0_i32_1 = arith.constant 0 : i32
    return %c0_i32, %c0_i32_0 : i32, i32
  }
  func.func @transform_2(%arg0: i32) -> (i32, i32) {
    %c0_i32 = arith.constant 0 : i32
    %c0_i32_0 = arith.constant 0 : i32
    %c0_i32_1 = arith.constant 0 : i32
    return %c0_i32, %c0_i32_0 : i32, i32
  }
  func.func @transform_3(%arg0: i32) -> (i32, i32) {
    %c0_i32 = arith.constant 0 : i32
    %c0_i32_0 = arith.constant 0 : i32
    %c0_i32_1 = arith.constant 0 : i32
    return %c0_i32, %c0_i32_0 : i32, i32
  }
  func.func @transform_4(%arg0: i32) -> (i32, i32) {
    %c0_i32 = arith.constant 0 : i32
    %c0_i32_0 = arith.constant 0 : i32
    %c0_i32_1 = arith.constant 0 : i32
    return %c0_i32, %c0_i32_0 : i32, i32
  }
  func.func @transform_5(%arg0: i32) -> (i32, i32) {
    %c0_i32 = arith.constant 0 : i32
    %c0_i32_0 = arith.constant 0 : i32
    %c0_i32_1 = arith.constant 0 : i32
    return %c0_i32, %c0_i32_0 : i32, i32
  }
  func.func @transform_6(%arg0: i32) -> (i32, i32) {
    %c0_i32 = arith.constant 0 : i32
    %c0_i32_0 = arith.constant 0 : i32
    return %arg0, %c0_i32 : i32, i32
  }
  func.func @transform_7(%arg0: i32) -> (i32, i32) {
    %c0_i32 = arith.constant 0 : i32
    %c0_i32_0 = arith.constant 0 : i32
    %c0_i32_1 = arith.constant 0 : i32
    return %c0_i32, %c0_i32_0 : i32, i32
  }
}

</mosaic_0001>

<sc_bundles>
// kernel: kernel.10.cloned.1.call-start
scs
__scs_entry_jumppad:
0x0: {  	(pc) =	sbr.rel $0x88, $3  }
0x1: {  	(tag) =	ssettag $0x0;
	lr =	simm.s32 $0x1  }
0x2: {  	[smem:$0x3F96] =	sst lr;
	_ =	strace $0xD0000000  }
0x3: {  	_ = 	snop  }
0x4: {  	_ = 	snop  }
0x5: {  	_ = 	snop  }
0x6: {  	_ = 	snop  }
0x7: {  	_ = 	snop  }
__scs_overlays_trampoline_lowered:
0x8: {  	[smem:$0x3FA5] =	sst s0  }
0x9: {  	[smem:$0x3FA6] =	sst s1  }
0xa: {  	[smem:$0x3FA7] =	sst s2  }
0xb: {  	[smem:$0x3FA8] =	sst s3  }
0xc: {  	[smem:$0x3FA9] =	sst s4  }
0xd: {  	[smem:$0x3FAA] =	sst s5  }
0xe: {  	[smem:$0x3FAB] =	sst s6  }
0xf: {  	[smem:$0x3FAC] =	sst s7  }
0x10: {  	[smem:$0x3FAD] =	sst s8  }
0x11: {  	[smem:$0x3FAE] =	sst s9;
	s0 =	simm.s32 @!p0 $0x0  }
0x12: {  	s1 =	sld [smem:$0x3F94];
	s0 =	simm.s32 @p0 $0x1  }
0x13: {  	[smem:$0x3FAF] =	sst s0;
	s0 =	simm.s32 @!p1 $0x0  }
0x14: {  	s2 =	sld [smem:$0x3F93];
	s0 =	simm.s32 @p1 $0x1  }
0x15: {  	[smem:$0x3FB0] =	sst s0;
	s0 =	simm.s32 @!p2 $0x0  }
0x16: {  	s3 =	sld [smem:$0x3FDB];
	s0 =	simm.s32 @p2 $0x1  }
0x17: {  	s4 =	simm.s32 $0x1BF5;
	[smem:$0x3FB2] =	sst s0  }
0x18: {  	s0 =	sld [smem:$0x3F95];
	_ =	swait.ge [sflag:s4], $0x0  }
0x19: {  	s7 =	sld [smem:$0x3F96]  }
0x1a: {  	s8 =	sadd.s32 $0xFFFFE003, lr  }
0x1b: {  	s9 =	sadd.s32 $0xFFFFFEF7, lr;
	s5 =	simm.s32 $0xFFFFFFFF;
	p2 =	slt.u32 s8, $0xFFFFF086  }
0x1c: {  	p1 =	slt.u32 s9, $0xF7A;
	s5 =	simm.s32 @!p2 $0x0  }
0x1d: {  	s5 =	simm.s32 @p1 $0x1;
	p0 =	seq.s32 s7, s2  }
0x1e: {  	s7 =	smul.u32 @!p0 $0xF7A, s2;
	p2 =	seq.s32 @!p0 s5, $0x0  }
0x1f: {  	s9 =	smul.u32 $0xF7A, s1;
	s8 =	simm.s32 @!p0 $0x1BF5;
	p2 =	por !p2, p0  }
0x20: {  	[sflag:s8] =	ssyncset.s32 @!p0 $0xFFFFF086;
	s6 =	sadd.s32 @!p0 s3, s7;
	s7 =	simm.s32 @!p0 $0x108  }
0x21: {  	s3 =	sadd.s32 s3, s9;
	s6 =	sadd.s32 @!p0 $0x88, s6;
	s7 =	simm.s32 @p2 $0x1082  }
0x22: {  	[simem:s7], [sflag:s8] =	dma.local @!p0 [hbm:s6], $0xF7A  }
0x23: {  	s9 =	sor.u32 $0xD0000000, s2;
	s6 =	simm.s32 $0x108;
	_ =	swait.ge @!p0 [sflag:s8], $0x0  }
0x24: {  	s3 =	sadd.s32 $0x88, s3;
	s6 =	simm.s32 @!p1 $0x1082;
	[sflag:s4] =	ssyncset.s32 $0xFFFFF086  }
0x25: {  	[simem:s6], [sflag:s4] =	dma.local [hbm:s3], $0xF7A  }
0x26: {  	[smem:$0x3F96] =	sst s1;
	(tag) =	ssettag s2;
	_ =	strace s9  }
0x27: {  	s1 =	sld [smem:$0x3FA6]  }
0x28: {  	s2 =	sld [smem:$0x3FA7]  }
0x29: {  	s4 =	sld [smem:$0x3FA9]  }
0x2a: {  	p0 =	seq.s32 s5, $0x0;
	s5 =	sld [smem:$0x3FAA]  }
0x2b: {  	s6 =	sld [smem:$0x3FAB]  }
0x2c: {  	s7 =	sld [smem:$0x3FAC]  }
0x2d: {  	s3 =	simm.s32 $0x108;
	s8 =	sld [smem:$0x3FAD]  }
0x2e: {  	s3 =	simm.s32 @!p0 $0x1082;
	s9 =	sld [smem:$0x3FAE]  }
0x2f: {  	lr =	sadd.s32 s0, s3;
	s0 =	sld [smem:$0x3FA5]  }
0x30: {  	s3 =	sld [smem:$0x3FA8]  }
0x31: {  	[smem:$0x3FB1] =	sst s10  }
0x32: {  	s10 =	sld [smem:$0x3FAF];
	_ =	sdelay $0x3  }
0x33: {  	p0 =	seq.s32 s10, $0x1;
	s10 =	sld [smem:$0x3FB1];
	_ =	sdelay $0x3  }
0x34: {  	[smem:$0x3FB1] =	sst s10  }
0x35: {  	s10 =	sld [smem:$0x3FB0];
	_ =	sdelay $0x3  }
0x36: {  	p1 =	seq.s32 s10, $0x1;
	s10 =	sld [smem:$0x3FB1];
	_ =	sdelay $0x3  }
0x37: {  	[smem:$0x3FB1] =	sst s10  }
0x38: {  	s10 =	sld [smem:$0x3FB2]  }
0x39: {  	_ = 	snop;
	(pc) =	sbr.ind lr, $3  }
0x3a: {  	_ = 	snop  }
0x3b: {  	_ = 	snop  }
0x3c: {  	p2 =	seq.s32 s10, $0x1;
	s10 =	sld [smem:$0x3FB1]  }
0x3d: {  	_ =	shalt  }
0x3e: {  	_ =	shalt  }
0x3f: {  	_ =	shalt  }
0x40: {  	_ =	shalt  }
0x41: {  	_ =	shalt  }
0x42: {  	_ =	shalt  }
0x43: {  	_ =	shalt  }
0x44: {  	_ =	shalt  }
0x45: {  	_ =	shalt  }
0x46: {  	_ =	shalt  }
0x47: {  	_ =	shalt  }
0x48: {  	_ =	shalt  }
0x49: {  	_ =	shalt  }
0x4a: {  	_ =	shalt  }
0x4b: {  	_ =	shalt  }
0x4c: {  	_ =	shalt  }
0x4d: {  	_ =	shalt  }
0x4e: {  	_ =	shalt  }
0x4f: {  	_ =	shalt  }
0x50: {  	_ =	shalt  }
0x51: {  	_ =	shalt  }
0x52: {  	_ =	shalt  }
0x53: {  	_ =	shalt  }
0x54: {  	_ =	shalt  }
0x55: {  	_ =	shalt  }
0x56: {  	_ =	shalt  }
0x57: {  	_ =	shalt  }
0x58: {  	_ =	shalt  }
0x59: {  	_ =	shalt  }
0x5a: {  	_ =	shalt  }
0x5b: {  	_ =	shalt  }
0x5c: {  	_ =	shalt  }
0x5d: {  	_ =	shalt  }
0x5e: {  	_ =	shalt  }
0x5f: {  	_ =	shalt  }
0x60: {  	_ =	shalt  }
0x61: {  	_ =	shalt  }
0x62: {  	_ =	shalt  }
0x63: {  	_ =	shalt  }
0x64: {  	_ =	shalt  }
0x65: {  	_ =	shalt  }
0x66: {  	_ =	shalt  }
0x67: {  	_ =	shalt  }
0x68: {  	_ =	shalt  }
0x69: {  	_ =	shalt  }
0x6a: {  	_ =	shalt  }
0x6b: {  	_ =	shalt  }
0x6c: {  	_ =	shalt  }
0x6d: {  	_ =	shalt  }
0x6e: {  	_ =	shalt  }
0x6f: {  	_ =	shalt  }
0x70: {  	_ =	shalt  }
0x71: {  	_ =	shalt  }
0x72: {  	_ =	shalt  }
0x73: {  	_ =	shalt  }
0x74: {  	_ =	shalt  }
0x75: {  	_ =	shalt  }
0x76: {  	_ =	shalt  }
0x77: {  	_ =	shalt  }
0x78: {  	_ =	shalt  }
0x79: {  	_ =	shalt  }
0x7a: {  	_ =	shalt  }
0x7b: {  	_ =	shalt  }
0x7c: {  	_ =	shalt  }
0x7d: {  	_ =	shalt  }
0x7e: {  	_ =	shalt  }
0x7f: {  	_ =	shalt  }
0x80: {  	_ =	shalt  }
0x81: {  	_ =	shalt  }
0x82: {  	_ =	shalt  }
0x83: {  	_ =	shalt  }
0x84: {  	_ =	shalt  }
0x85: {  	_ =	shalt  }
0x86: {  	_ =	shalt  }
0x87: {  	_ =	shalt  }
.Lfunc_end0:
.L_simem_size_0:
called_computation.1_lowered:
.L_overlay_start_0:
0x88: {  	s2 =	sld [smem:$0x3FD9]  }
0x89: {  	s3 =	sld [smem:$0x3FFE];
	_ =	sdelay $0x1  }
0x8a: {  	s1 =	srdreg.scid  }
0x8b: {  	s0 =	sand.u32 $0x1, s1  }
0x8c: {  	s16 =	sshll.u32 s0, $0xA;
	s2 =	sadd.s32 s3, s2  }
0x8d: {  	s2 =	sadd.s32 s2, s16  }
0x8e: {  	[smem:$0x3FBD] =	sst s2  }
0x8f: {  	_ = 	snop  }
0x90: {  	(tm) =	ssettm $0x1  }
0x91: {  	s17 =	sld [smem:$0x3FFB];
	_ =	sdelay $0x3  }
0x92: {  	_ =	strace s17  }
0x93: {  	s2 =	sld [smem:$0x3FFC];
	_ =	sdelay $0x3  }
0x94: {  	_ =	strace s2  }
0x95: {  	s2 =	sld [smem:$0x3FFD];
	_ =	sdelay $0x3  }
0x96: {  	_ =	strace s2  }
0x97: {  	_ =	strace $0x8FFFFFFF  }
0x98: {  	s18 =	sld [smem:$0x3FDB];
	_ =	sdelay $0x1  }
0x99: {  	s19 =	simm.s32 $_scs_section_size  }
0x9a: {  	s4 =	simm.s32 $_size__tile_overlayer_lowered;
	s5 =	simm.s32 $_tile_overlayer_lowered  }
0x9b: {  	s22 =	simm.s32 $0x1BFF;
	s21 =	sshll.u32 s5, $0x1;
	s2 =	sadd.s32 s19, s18  }
0x9c: {  	s6 =	simm.s32 $0x0;
	s20 =	sshll.u32 s4, $0x1;
	s4 =	sadd.s32 s21, s2  }
0x9d: {  	[timem:s6], [sflag:s22] =	dma.local [hbm:s4], s20  }
0x9e: {  	_ =	swait.ge [sflag:s22], s20  }
0x9f: {  	s3 =	ssub.s32 $0x0, s20;
	[sflag:s22] =	ssyncset.done $0x0  }
0xa0: {  	[sflag:s22] =	ssyncadd.s32 s3;
	_ =	sdelay $0x1  }
0xa1: {  	s23 =	simm.s32 $0x1B8B  }
0xa2: {  	_ =	swait.ge [sflag:s23], $0x1  }
0xa3: {  	[sflag:s23] =	ssyncset.done $0x0  }
0xa4: {  	s25 =	simm.s32 $0x1B8E;
	s24 =	sld [smem:$0x3FFE];
	[sflag:s23] =	ssyncadd.s32 $0xFFFFFFFF  }
0xa5: {  	s26 =	simm.s32 $execute0_lowered;
	[smem:$0x3FD2] =	sst s25  }
0xa6: {  	s4 =	sshll.u32 s26, $0x1;
	_ =	strace $0x80000049;
	[dreg:$0x1] =	wrdreg $0xFFFFFFFF  }
0xa7: {  	s28 =	simm.s32 $_size_execute0_lowered;
	s2 =	sadd.s32 s2, s4;
	[dreg:$0x0] =	wrdreg $0x0  }
0xa8: {  	s4 =	sshll.u32 s28, $0x1;
	[dreg:$0x2] =	wrdreg s2  }
0xa9: {  	[dreg:$0x3] =	wrdreg s4  }
0xaa: {  	[dreg:$0x4] =	wrdreg $0xC0  }
0xab: {  	_ =	task [dreg:s6], $0x5FFFF  }
0xac: {  	[dreg:$0x1] =	wrdreg $0xFFFFFFFF  }
0xad: {  	[dreg:$0x0] =	wrdreg $0x60  }
0xae: {  	[dreg:$0x2] =	wrdreg s24  }
0xaf: {  	[dreg:$0x3] =	wrdreg $0x66000  }
0xb0: {  	[dreg:$0x4] =	wrdreg $0x9  }
0xb1: {  	_ =	task.clear_ibuf [dreg:s6], $0x5FFFF;
	_ =	strace $0x90000049  }
0xb2: {  	s29 =	simm.s32 $0x9;
	_ =	strace $0x8000004B  }
0xb3: {  	_ =	swait.ge [sflag:s29], $0x1  }
0xb4: {  	[sflag:s29] =	ssyncadd.s32 $0xFFFFFFFF  }
0xb5: {  	_ =	strace $0x9000004B  }
0xb6: {  	_ =	sfence  }
0xb7: {  	s30 =	sld [smem:$0x0];
	_ =	sdelay $0x2  }
0xb8: {  	s31 =	sshll.u32 s1, $0xD;
	s1 =	sshrl.u32 s1, $0x2  }
0xb9: {  	s3 =	sand.u32 $0x4000, s31;
	s1 =	sadd.s32 s1, s30  }
0xba: {  	s0 =	sor.u32 s3, s0;
	s1 =	sshll.u32 s1, $0x11  }
0xbb: {  	s0 =	sor.u32 s1, s0  }
0xbc: {  	s0 =	sadd.s32 $0x8F2B, s0  }
0xbd: {  	[sflag:s0] =	ssyncadd.remote.s32 $0x1  }
0xbe: {  	_ =	sfence.sel $0xFFFF  }
0xbf: {  	[dreg:$0x0] =	wrdreg $0xFFFFFFFF;
	(pc) =	sbr.abs _section_cstart, $3  }
0xc0: {  	[dreg:$0x1] =	wrdreg $0xFFFFFFFF  }
0xc1: {  	_ =	task.clear_ibuf [dreg:s6], $0x2FFFF;
	_ =	strace $0x9FFFFFFF  }
0xc2: {  	(tm) =	ssettm $0x7FFFFFFF  }
0xc3: {  	_ =	shalt  }
tec
execute0_lowered:
.L_overlay_start_1:
0x0: {  	(tag) =	ssettag $0x1  }
0x1: {  	s0 =	rddreg [dreg:$0x0]  }
0x2: {  	s1 =	rddreg [dreg:$0x1];
	s3 =	simm.s32 $0x0;
	s15 =	stileid.u32  }
0x3: {  	s2 =	srdreg.scid;
	s25 =	simm.s32 $0x4480;
	s26 =	simm.s32 $0x4580  }
0x4: {  	s28 =	simm.s32 $0x5600;
	s29 =	simm.s32 $0x1;
	s30 =	simm.s32 $0x180  }
0x5: {  	s31 =	simm.s32 $0x2;
	[smem:$0x7FF] =	sst s3;
	s5 =	sadd.s32 $0x110E00, s0  }
0x6: {  	s6 =	smul.u32 $0x18800, s15;
	s2 =	sand.u32 $0x1, s2;
	s9 =	sadd.s32 $0x2E00, s0  }
0x7: {  	s4 =	sadd.s32 $0x1BE00, s0;
	s11 =	smul.u32 $0x190, s15;
	s17 =	sshll.u32 s15, $0x6  }
0x8: {  	s19 =	smul.u32 $0x1900, s15;
	s15 =	simm.s32 $0x80;
	_ =	strace $0x8000004A  }
0x9: {  	s7 =	smul.u32 $0x31000, s2;
	s8 =	ssub.s32 $0x2, s2;
	[dreg:$0x6] =	wrdreg s25  }
0xa: {  	s2 =	smul.u32 $0x1900, s2;
	[dreg:$0x7] =	wrdreg s26;
	s25 =	simm.s32 $0x4500  }
0xb: {  	s26 =	simm.s32 $0x4600;
	s10 =	sshrl.u32 s6, $0x3;
	s13 =	sshrl.u32 s8, $0x1  }
0xc: {  	s14 =	sadd.s32 s6, s1;
	s6 =	sor.u32 $0x1C04, s17;
	s17 =	simm.s32 $0x1200  }
0xd: {  	s12 =	sadd.s32 s10, s0;
	s0 =	sadd.s32 s7, s0;
	s13 =	ssub.s32 s8, s13  }
0xe: {  	s18 =	sadd.s32 s11, s2;
	s11 =	sor.u32 $0x2, s11;
	s8 =	sadd.s32 s9, s19  }
0xf: {  	s19 =	simm.s32 $0x2300;
	s16 =	sadd.s32 $0x7DE00, s12;
	s7 =	sshll.u32 s18, $0x4  }
0x10: {  	s2 =	sadd.s32 s2, s11;
	s11 =	sshll.u32 s11, $0x4;
	s0 =	sadd.s32 $0xAEE00, s0  }
0x11: {  	s23 =	smax.u32 s13, $0x1;
	s12 =	sshrl.u32 s14, $0x3;
	[dreg:$0x8] =	wrdreg s16  }
0x12: {  	s13 =	simm.s32 $0x4;
	s20 =	sadd.s32 s9, s11;
	[dreg:$0xc] =	wrdreg s23  }
0x13: {  	s14 =	simm.s32 $0x100;
	s7 =	sadd.s32 s5, s7;
	[dreg:$0xb] =	wrdreg s20  }
0x14: {  	s2 =	sshll.u32 s2, $0x4;
	s0 =	sadd.s32 s10, s0;
	[dreg:$0x9] =	wrdreg s7  }
0x15: {  	s18 =	simm.s32 $0x2200;
	s2 =	sadd.s32 s5, s2;
	[dreg:$0xd] =	wrdreg s0  }
0x16: {  	s16 =	simm.s32 $0x200;
	s21 =	sadd.s32 $0x80, s7;
	[dreg:$0xa] =	wrdreg s2  }
0x17: {  	s23 =	simm.s32 $0x4400;
	s22 =	sadd.s32 $0x60, s7;
	[dreg:$0x3] =	wrdreg s21  }
0x18: {  	s24 =	sadd.s32 $0x40, s7;
	s20 =	simm.s32 $0x2400;
	[dreg:$0x4] =	wrdreg s22  }
0x19: {  	s0 =	simm.s32 $0x2380;
	s5 =	simm.s32 $0x0;
	[dreg:$0x5] =	wrdreg s24  }
0x1a: {  	s21 =	simm.s32 $0x2280;
	s22 =	simm.s32 $0x3400;
	s2 =	simm.s32 $0x3  }
.LBB2_1:
0x1b: {  	s7 =	rddreg [dreg:$0x8]  }
0x1c: {  	[spmem:s12], [sflag:s6] =	dma.local [hbm:s7], $0x3100  }
0x1d: {  	_ =	swait.ge [sflag:s13], $0x3100  }
0x1e: {  	[sflag:s13] =	ssyncset.done $0x0  }
0x1f: {  	[sflag:s13] =	ssyncadd.s32 $0xFFFFCF00  }
0x20: {  	[bflag:$0x0] =	sbarrier.arrive $0xFFFF  }
0x21: {  	s24 =	rddreg [dreg:$0x9]  }
0x22: {  	[tilespmem:s3], [sflag:$0x4] =	stream.linear.gather [hbm4b:s24+s3], $0x100, $0x38;
	[tilespmem:$0x1EE00] =	vst v63  }
0x23: {  	_ =	swait.ge [sflag:s13], $0x100  }
0x24: {  	[sflag:s13] =	ssyncset.done $0x0  }
0x25: {  	[sflag:s13] =	ssyncadd.s32 $0xFFFFFF00  }
0x26: {  	[tilespmem:s14], [sflag:$0x4] =	stream.linear.gather [hbm4b:s8+s3], $0x100, $0x38;
	[tilespmem:$0x1EE00] =	vst v63  }
0x27: {  	_ =	swait.ge [sflag:s13], $0x100  }
0x28: {  	[sflag:s13] =	ssyncset.done $0x0  }
0x29: {  	[sflag:s13] =	ssyncadd.s32 $0xFFFFFF00  }
0x2a: {  	[tilespmem:s16], [sflag:$0x1] =	stream.indirect.gather [hbm4b:s4+s15], $0x20, s3, s15, $0xb8;
	[tilespmem:$0x1EE00] =	vst v63  }
0x2b: {  	_ = 	snop  }
0x2c: {  	[tilespmem:s17], [sflag:$0x1] =	stream.indirect.gather [hbm4b:s4+s15], $0x20, s15, s15, $0xb8;
	[tilespmem:$0x1EE00] =	vst v63  }
0x2d: {  	s9 =	rddreg [dreg:$0xa]  }
0x2e: {  	[tilespmem:s18], [sflag:$0x4] =	stream.linear.gather [hbm4b:s9+s3], $0x100, $0x38;
	[tilespmem:$0x1EE00] =	vst v63  }
0x2f: {  	_ =	swait.ge [sflag:s13], $0x100  }
0x30: {  	[sflag:s13] =	ssyncset.done $0x0  }
0x31: {  	s10 =	rddreg [dreg:$0xb];
	[sflag:s13] =	ssyncadd.s32 $0xFFFFFF00  }
0x32: {  	[tilespmem:s19], [sflag:$0x4] =	stream.linear.gather [hbm4b:s10+s3], $0x100, $0x38;
	[tilespmem:$0x1EE00] =	vst v63  }
0x33: {  	_ =	swait.ge [sflag:s13], $0x100  }
0x34: {  	[sflag:s13] =	ssyncset.done $0x0  }
0x35: {  	[sflag:s13] =	ssyncadd.s32 $0xFFFFFF00  }
0x36: {  	[tilespmem:s20], [sflag:$0x2] =	stream.indirect.gather [hbm4b:s4+s15], $0x20, s18, s15, $0xb8;
	[tilespmem:$0x1EE00] =	vst v63  }
0x37: {  	s9 =	rddreg [dreg:$0x5]  }
0x38: {  	[tilespmem:s22], [sflag:$0x2] =	stream.indirect.gather [hbm4b:s4+s15], $0x20, s21, s15, $0xb8;
	[tilespmem:$0x1EE00] =	vst v63  }
0x39: {  	s9 =	sadd.s32 $0x0, s9  }
0x3a: {  	[tilespmem:s23], [sflag:$0x4] =	stream.linear.gather [hbm4b:s9+s3], $0x100, $0x38;
	[tilespmem:$0x1EE00] =	vst v63  }
0x3b: {  	_ =	swait.ge [sflag:s13], $0x100  }
0x3c: {  	s9 =	sadd.s32 $0x0, s8;
	[sflag:s13] =	ssyncset.done $0x0  }
0x3d: {  	s10 =	sadd.s32 $0x40, s9;
	[sflag:s13] =	ssyncadd.s32 $0xFFFFFF00  }
0x3e: {  	[tilespmem:s25], [sflag:$0x4] =	stream.linear.gather [hbm4b:s10+s3], $0x100, $0x38;
	[tilespmem:$0x1EE00] =	vst v63  }
0x3f: {  	_ =	swait.ge [sflag:s13], $0x100  }
0x40: {  	[sflag:s13] =	ssyncset.done $0x0  }
0x41: {  	[sflag:s13] =	ssyncadd.s32 $0xFFFFFF00  }
0x42: {  	[tilespmem:s26], [sflag:$0x3] =	stream.indirect.gather [hbm4b:s4+s15], $0x20, s23, s15, $0xb8;
	[tilespmem:$0x1EE00] =	vst v63  }
0x43: {  	s11 =	rddreg [dreg:$0x6]  }
0x44: {  	[tilespmem:s28], [sflag:$0x3] =	stream.indirect.gather [hbm4b:s4+s15], $0x20, s11, s15, $0xb8;
	[tilespmem:$0x1EE00] =	vst v63  }
0x45: {  	_ =	swait.ge [sflag:s29], $0x1000  }
0x46: {  	[sflag:s29] =	ssyncset.done $0x0  }
0x47: {  	[sflag:s29] =	ssyncadd.s32 $0xFFFFF000  }
0x48: {  	_ =	swait.ge [sflag:s29], $0x1000  }
0x49: {  	[sflag:s29] =	ssyncset.done $0x0  }
0x4a: {  	[sflag:s29] =	ssyncadd.s32 $0xFFFFF000  }
0x4b: {  	[spmem:s1] =	stream.indirect.scatter.add.f32 [tilespmem:s16], [sflag:$0x4], $0x20, s14, s15, $0xb8;
	[tilespmem:$0x1EE00] =	vst v63  }
0x4c: {  	_ =	swait.ge [sflag:s13], $0x1000  }
0x4d: {  	[sflag:s13] =	ssyncset.done $0x0  }
0x4e: {  	[sflag:s13] =	ssyncadd.s32 $0xFFFFF000  }
0x4f: {  	[spmem:s1] =	stream.indirect.scatter.add.f32 [tilespmem:s17], [sflag:$0x4], $0x20, s30, s15, $0xb8;
	[tilespmem:$0x1EE00] =	vst v63  }
0x50: {  	_ =	swait.ge [sflag:s13], $0x1000  }
0x51: {  	s24 =	rddreg [dreg:$0x4];
	[sflag:s13] =	ssyncset.done $0x0  }
0x52: {  	[sflag:s13] =	ssyncadd.s32 $0xFFFFF000;
	s10 =	sadd.s32 $0x0, s24  }
0x53: {  	[tilespmem:s3], [sflag:$0x4] =	stream.linear.gather [hbm4b:s10+s3], $0x100, $0x38;
	[tilespmem:$0x1EE00] =	vst v63  }
0x54: {  	_ =	swait.ge [sflag:s13], $0x100  }
0x55: {  	[sflag:s13] =	ssyncset.done $0x0  }
0x56: {  	s7 =	sadd.s32 $0x60, s9;
	[sflag:s13] =	ssyncadd.s32 $0xFFFFFF00  }
0x57: {  	[tilespmem:s14], [sflag:$0x4] =	stream.linear.gather [hbm4b:s7+s3], $0x100, $0x38;
	[tilespmem:$0x1EE00] =	vst v63  }
0x58: {  	_ =	swait.ge [sflag:s13], $0x100  }
0x59: {  	[sflag:s13] =	ssyncset.done $0x0  }
0x5a: {  	[sflag:s13] =	ssyncadd.s32 $0xFFFFFF00  }
0x5b: {  	[tilespmem:s16], [sflag:$0x1] =	stream.indirect.gather [hbm4b:s4+s15], $0x20, s3, s15, $0xb8;
	[tilespmem:$0x1EE00] =	vst v63  }
0x5c: {  	_ = 	snop  }
0x5d: {  	[tilespmem:s17], [sflag:$0x1] =	stream.indirect.gather [hbm4b:s4+s15], $0x20, s15, s15, $0xb8;
	[tilespmem:$0x1EE00] =	vst v63  }
0x5e: {  	_ =	swait.ge [sflag:s31], $0x1000  }
0x5f: {  	[sflag:s31] =	ssyncset.done $0x0  }
0x60: {  	[sflag:s31] =	ssyncadd.s32 $0xFFFFF000  }
0x61: {  	_ =	swait.ge [sflag:s31], $0x1000  }
0x62: {  	[sflag:s31] =	ssyncset.done $0x0  }
0x63: {  	[sflag:s31] =	ssyncadd.s32 $0xFFFFF000  }
0x64: {  	[spmem:s1] =	stream.indirect.scatter.add.f32 [tilespmem:s20], [sflag:$0x4], $0x20, s19, s15, $0xb8;
	[tilespmem:$0x1EE00] =	vst v63  }
0x65: {  	_ =	swait.ge [sflag:s13], $0x1000  }
0x66: {  	[sflag:s13] =	ssyncset.done $0x0  }
0x67: {  	[sflag:s13] =	ssyncadd.s32 $0xFFFFF000  }
0x68: {  	[spmem:s1] =	stream.indirect.scatter.add.f32 [tilespmem:s22], [sflag:$0x4], $0x20, s0, s15, $0xb8;
	[tilespmem:$0x1EE00] =	vst v63  }
0x69: {  	_ =	swait.ge [sflag:s13], $0x1000  }
0x6a: {  	s11 =	rddreg [dreg:$0x3];
	[sflag:s13] =	ssyncset.done $0x0  }
0x6b: {  	[sflag:s13] =	ssyncadd.s32 $0xFFFFF000;
	s10 =	sadd.s32 $0x0, s11  }
0x6c: {  	[tilespmem:s18], [sflag:$0x4] =	stream.linear.gather [hbm4b:s10+s3], $0x100, $0x38;
	[tilespmem:$0x1EE00] =	vst v63  }
0x6d: {  	_ =	swait.ge [sflag:s13], $0x100  }
0x6e: {  	[sflag:s13] =	ssyncset.done $0x0  }
0x6f: {  	s9 =	sadd.s32 $0x80, s9;
	[sflag:s13] =	ssyncadd.s32 $0xFFFFFF00  }
0x70: {  	[tilespmem:s19], [sflag:$0x4] =	stream.linear.gather [hbm4b:s9+s3], $0x100, $0x38;
	[tilespmem:$0x1EE00] =	vst v63  }
0x71: {  	_ =	swait.ge [sflag:s13], $0x100  }
0x72: {  	[sflag:s13] =	ssyncset.done $0x0  }
0x73: {  	[sflag:s13] =	ssyncadd.s32 $0xFFFFFF00  }
0x74: {  	[tilespmem:s20], [sflag:$0x2] =	stream.indirect.gather [hbm4b:s4+s15], $0x20, s18, s15, $0xb8;
	[tilespmem:$0x1EE00] =	vst v63  }
0x75: {  	_ = 	snop  }
0x76: {  	[tilespmem:s22], [sflag:$0x2] =	stream.indirect.gather [hbm4b:s4+s15], $0x20, s21, s15, $0xb8;
	[tilespmem:$0x1EE00] =	vst v63  }
0x77: {  	_ =	swait.ge [sflag:s2], $0x1000  }
0x78: {  	[sflag:s2] =	ssyncset.done $0x0  }
0x79: {  	[sflag:s2] =	ssyncadd.s32 $0xFFFFF000  }
0x7a: {  	_ =	swait.ge [sflag:s2], $0x1000  }
0x7b: {  	[sflag:s2] =	ssyncset.done $0x0  }
0x7c: {  	[sflag:s2] =	ssyncadd.s32 $0xFFFFF000  }
0x7d: {  	[spmem:s1] =	stream.indirect.scatter.add.f32 [tilespmem:s26], [sflag:$0x4], $0x20, s25, s15, $0xb8;
	[tilespmem:$0x1EE00] =	vst v63  }
0x7e: {  	_ =	swait.ge [sflag:s13], $0x1000  }
0x7f: {  	[sflag:s13] =	ssyncset.done $0x0  }
0x80: {  	s24 =	rddreg [dreg:$0x7];
	[sflag:s13] =	ssyncadd.s32 $0xFFFFF000  }
0x81: {  	[spmem:s1] =	stream.indirect.scatter.add.f32 [tilespmem:s28], [sflag:$0x4], $0x20, s24, s15, $0xb8;
	[tilespmem:$0x1EE00] =	vst v63  }
0x82: {  	s10 =	simm.s32 $0xC0;
	_ =	swait.ge [sflag:s13], $0x1000  }
0x83: {  	s9 =	simm.s32 $0x60;
	s24 =	rddreg [dreg:$0x5];
	[sflag:s13] =	ssyncset.done $0x0  }
.LBB2_2:
0x84: {  	[sflag:s13] =	ssyncadd.s32 $0xFFFFF000;
	s24 =	sadd.s32 s9, s24  }
0x85: {  	[tilespmem:s23], [sflag:$0x4] =	stream.linear.gather [hbm4b:s24+s3], $0x100, $0x38;
	[tilespmem:$0x1EE00] =	vst v63  }
0x86: {  	_ =	swait.ge [sflag:s13], $0x100  }
0x87: {  	s24 =	sadd.s32 s9, s8;
	[sflag:s13] =	ssyncset.done $0x0  }
0x88: {  	s7 =	sadd.s32 $0x40, s24;
	[sflag:s13] =	ssyncadd.s32 $0xFFFFFF00  }
0x89: {  	[tilespmem:s25], [sflag:$0x4] =	stream.linear.gather [hbm4b:s7+s3], $0x100, $0x38;
	[tilespmem:$0x1EE00] =	vst v63  }
0x8a: {  	_ =	swait.ge [sflag:s13], $0x100  }
0x8b: {  	[sflag:s13] =	ssyncset.done $0x0  }
0x8c: {  	[sflag:s13] =	ssyncadd.s32 $0xFFFFFF00  }
0x8d: {  	[tilespmem:s26], [sflag:$0x3] =	stream.indirect.gather [hbm4b:s4+s15], $0x20, s23, s15, $0xb8;
	[tilespmem:$0x1EE00] =	vst v63  }
0x8e: {  	s7 =	rddreg [dreg:$0x6]  }
0x8f: {  	[tilespmem:s28], [sflag:$0x3] =	stream.indirect.gather [hbm4b:s4+s15], $0x20, s7, s15, $0xb8;
	[tilespmem:$0x1EE00] =	vst v63  }
0x90: {  	_ =	swait.ge [sflag:s29], $0x1000  }
0x91: {  	[sflag:s29] =	ssyncset.done $0x0  }
0x92: {  	[sflag:s29] =	ssyncadd.s32 $0xFFFFF000  }
0x93: {  	_ =	swait.ge [sflag:s29], $0x1000  }
0x94: {  	[sflag:s29] =	ssyncset.done $0x0  }
0x95: {  	[sflag:s29] =	ssyncadd.s32 $0xFFFFF000  }
0x96: {  	[spmem:s1] =	stream.indirect.scatter.add.f32 [tilespmem:s16], [sflag:$0x4], $0x20, s14, s15, $0xb8;
	[tilespmem:$0x1EE00] =	vst v63  }
0x97: {  	_ =	swait.ge [sflag:s13], $0x1000  }
0x98: {  	[sflag:s13] =	ssyncset.done $0x0  }
0x99: {  	[sflag:s13] =	ssyncadd.s32 $0xFFFFF000  }
0x9a: {  	[spmem:s1] =	stream.indirect.scatter.add.f32 [tilespmem:s17], [sflag:$0x4], $0x20, s30, s15, $0xb8;
	[tilespmem:$0x1EE00] =	vst v63  }
0x9b: {  	_ =	swait.ge [sflag:s13], $0x1000  }
0x9c: {  	s7 =	rddreg [dreg:$0x4];
	[sflag:s13] =	ssyncset.done $0x0  }
0x9d: {  	[sflag:s13] =	ssyncadd.s32 $0xFFFFF000;
	s7 =	sadd.s32 s9, s7  }
0x9e: {  	[tilespmem:s3], [sflag:$0x4] =	stream.linear.gather [hbm4b:s7+s3], $0x100, $0x38;
	[tilespmem:$0x1EE00] =	vst v63  }
0x9f: {  	_ =	swait.ge [sflag:s13], $0x100  }
0xa0: {  	[sflag:s13] =	ssyncset.done $0x0  }
0xa1: {  	s7 =	sadd.s32 $0x60, s24;
	[sflag:s13] =	ssyncadd.s32 $0xFFFFFF00  }
0xa2: {  	[tilespmem:s14], [sflag:$0x4] =	stream.linear.gather [hbm4b:s7+s3], $0x100, $0x38;
	[tilespmem:$0x1EE00] =	vst v63  }
0xa3: {  	_ =	swait.ge [sflag:s13], $0x100  }
0xa4: {  	[sflag:s13] =	ssyncset.done $0x0  }
0xa5: {  	[sflag:s13] =	ssyncadd.s32 $0xFFFFFF00  }
0xa6: {  	[tilespmem:s16], [sflag:$0x1] =	stream.indirect.gather [hbm4b:s4+s15], $0x20, s3, s15, $0xb8;
	[tilespmem:$0x1EE00] =	vst v63  }
0xa7: {  	_ = 	snop  }
0xa8: {  	[tilespmem:s17], [sflag:$0x1] =	stream.indirect.gather [hbm4b:s4+s15], $0x20, s15, s15, $0xb8;
	[tilespmem:$0x1EE00] =	vst v63  }
0xa9: {  	_ =	swait.ge [sflag:s31], $0x1000  }
0xaa: {  	[sflag:s31] =	ssyncset.done $0x0  }
0xab: {  	[sflag:s31] =	ssyncadd.s32 $0xFFFFF000  }
0xac: {  	_ =	swait.ge [sflag:s31], $0x1000  }
0xad: {  	[sflag:s31] =	ssyncset.done $0x0  }
0xae: {  	[sflag:s31] =	ssyncadd.s32 $0xFFFFF000  }
0xaf: {  	[spmem:s1] =	stream.indirect.scatter.add.f32 [tilespmem:s20], [sflag:$0x4], $0x20, s19, s15, $0xb8;
	[tilespmem:$0x1EE00] =	vst v63  }
0xb0: {  	_ =	swait.ge [sflag:s13], $0x1000  }
0xb1: {  	[sflag:s13] =	ssyncset.done $0x0  }
0xb2: {  	[sflag:s13] =	ssyncadd.s32 $0xFFFFF000  }
0xb3: {  	[spmem:s1] =	stream.indirect.scatter.add.f32 [tilespmem:s22], [sflag:$0x4], $0x20, s0, s15, $0xb8;
	[tilespmem:$0x1EE00] =	vst v63  }
0xb4: {  	_ =	swait.ge [sflag:s13], $0x1000  }
0xb5: {  	s7 =	rddreg [dreg:$0x3];
	[sflag:s13] =	ssyncset.done $0x0  }
0xb6: {  	[sflag:s13] =	ssyncadd.s32 $0xFFFFF000;
	s7 =	sadd.s32 s9, s7  }
0xb7: {  	[tilespmem:s18], [sflag:$0x4] =	stream.linear.gather [hbm4b:s7+s3], $0x100, $0x38;
	[tilespmem:$0x1EE00] =	vst v63  }
0xb8: {  	_ =	swait.ge [sflag:s13], $0x100  }
0xb9: {  	s11 =	smov.u32 s10;
	[sflag:s13] =	ssyncset.done $0x0  }
0xba: {  	s9 =	smov.u32 s11;
	s11 =	sadd.s32 $0x80, s24;
	[sflag:s13] =	ssyncadd.s32 $0xFFFFFF00  }
0xbb: {  	[tilespmem:s19], [sflag:$0x4] =	stream.linear.gather [hbm4b:s11+s3], $0x100, $0x38;
	[tilespmem:$0x1EE00] =	vst v63  }
0xbc: {  	_ =	swait.ge [sflag:s13], $0x100  }
0xbd: {  	[sflag:s13] =	ssyncset.done $0x0  }
0xbe: {  	[sflag:s13] =	ssyncadd.s32 $0xFFFFFF00  }
0xbf: {  	[tilespmem:s20], [sflag:$0x2] =	stream.indirect.gather [hbm4b:s4+s15], $0x20, s18, s15, $0xb8;
	[tilespmem:$0x1EE00] =	vst v63  }
0xc0: {  	_ = 	snop  }
0xc1: {  	[tilespmem:s22], [sflag:$0x2] =	stream.indirect.gather [hbm4b:s4+s15], $0x20, s21, s15, $0xb8;
	[tilespmem:$0x1EE00] =	vst v63  }
0xc2: {  	_ =	swait.ge [sflag:s2], $0x1000  }
0xc3: {  	[sflag:s2] =	ssyncset.done $0x0  }
0xc4: {  	[sflag:s2] =	ssyncadd.s32 $0xFFFFF000  }
0xc5: {  	_ =	swait.ge [sflag:s2], $0x1000  }
0xc6: {  	[sflag:s2] =	ssyncset.done $0x0  }
0xc7: {  	[sflag:s2] =	ssyncadd.s32 $0xFFFFF000  }
0xc8: {  	[spmem:s1] =	stream.indirect.scatter.add.f32 [tilespmem:s26], [sflag:$0x4], $0x20, s25, s15, $0xb8;
	[tilespmem:$0x1EE00] =	vst v63  }
0xc9: {  	p0 =	sne.s32 s10, $0x1860;
	_ =	swait.ge [sflag:s13], $0x1000  }
.Ltmp0:
0xca: {  	[sflag:s13] =	ssyncset.done $0x0;
	(pc) =	sbr.rel @p0 .LBB2_2-.Ltmp0, $4  }
0xcb: {  	s24 =	rddreg [dreg:$0x7];
	[sflag:s13] =	ssyncadd.s32 $0xFFFFF000  }
0xcc: {  	[spmem:s1] =	stream.indirect.scatter.add.f32 [tilespmem:s28], [sflag:$0x4], $0x20, s24, s15, $0xb8;
	[tilespmem:$0x1EE00] =	vst v63  }
0xcd: {  	_ =	swait.ge [sflag:s13], $0x1000  }
0xce: {  	s10 =	sadd.s32 $0x60, s10;
	s24 =	rddreg [dreg:$0x5];
	[sflag:s13] =	ssyncset.done $0x0  }
0xcf: {  	[sflag:s13] =	ssyncadd.s32 $0xFFFFF000;
	s7 =	sadd.s32 s9, s24  }
0xd0: {  	[tilespmem:s23], [sflag:$0x4] =	stream.linear.gather [hbm4b:s7+s3], $0x100, $0x38;
	[tilespmem:$0x1EE00] =	vst v63  }
0xd1: {  	_ =	swait.ge [sflag:s13], $0x100  }
0xd2: {  	s7 =	sadd.s32 s9, s8;
	[sflag:s13] =	ssyncset.done $0x0  }
0xd3: {  	s10 =	sadd.s32 $0x40, s7;
	[sflag:s13] =	ssyncadd.s32 $0xFFFFFF00  }
0xd4: {  	[tilespmem:s25], [sflag:$0x4] =	stream.linear.gather [hbm4b:s10+s3], $0x100, $0x38;
	[tilespmem:$0x1EE00] =	vst v63  }
0xd5: {  	_ =	swait.ge [sflag:s13], $0x100  }
0xd6: {  	[sflag:s13] =	ssyncset.done $0x0  }
0xd7: {  	[sflag:s13] =	ssyncadd.s32 $0xFFFFFF00  }
0xd8: {  	[tilespmem:s26], [sflag:$0x3] =	stream.indirect.gather [hbm4b:s4+s15], $0x20, s23, s15, $0xb8;
	[tilespmem:$0x1EE00] =	vst v63  }
0xd9: {  	s24 =	rddreg [dreg:$0x6]  }
0xda: {  	[tilespmem:s28], [sflag:$0x3] =	stream.indirect.gather [hbm4b:s4+s15], $0x20, s24, s15, $0xb8;
	[tilespmem:$0x1EE00] =	vst v63  }
0xdb: {  	_ =	swait.ge [sflag:s29], $0x1000  }
0xdc: {  	[sflag:s29] =	ssyncset.done $0x0  }
0xdd: {  	[sflag:s29] =	ssyncadd.s32 $0xFFFFF000  }
0xde: {  	_ =	swait.ge [sflag:s29], $0x1000  }
0xdf: {  	[sflag:s29] =	ssyncset.done $0x0  }
0xe0: {  	[sflag:s29] =	ssyncadd.s32 $0xFFFFF000  }
0xe1: {  	[spmem:s1] =	stream.indirect.scatter.add.f32 [tilespmem:s16], [sflag:$0x4], $0x20, s14, s15, $0xb8;
	[tilespmem:$0x1EE00] =	vst v63  }
0xe2: {  	_ =	swait.ge [sflag:s13], $0x1000  }
0xe3: {  	[sflag:s13] =	ssyncset.done $0x0  }
0xe4: {  	[sflag:s13] =	ssyncadd.s32 $0xFFFFF000  }
0xe5: {  	[spmem:s1] =	stream.indirect.scatter.add.f32 [tilespmem:s17], [sflag:$0x4], $0x20, s30, s15, $0xb8;
	[tilespmem:$0x1EE00] =	vst v63  }
0xe6: {  	_ =	swait.ge [sflag:s13], $0x1000  }
0xe7: {  	s11 =	rddreg [dreg:$0x4];
	[sflag:s13] =	ssyncset.done $0x0  }
0xe8: {  	[sflag:s13] =	ssyncadd.s32 $0xFFFFF000;
	s10 =	sadd.s32 s9, s11  }
0xe9: {  	[tilespmem:s3], [sflag:$0x4] =	stream.linear.gather [hbm4b:s10+s3], $0x100, $0x38;
	[tilespmem:$0x1EE00] =	vst v63  }
0xea: {  	_ =	swait.ge [sflag:s13], $0x100  }
0xeb: {  	[sflag:s13] =	ssyncset.done $0x0  }
0xec: {  	s24 =	sadd.s32 $0x60, s7;
	[sflag:s13] =	ssyncadd.s32 $0xFFFFFF00  }
0xed: {  	[tilespmem:s14], [sflag:$0x4] =	stream.linear.gather [hbm4b:s24+s3], $0x100, $0x38;
	[tilespmem:$0x1EE00] =	vst v63  }
0xee: {  	_ =	swait.ge [sflag:s13], $0x100  }
0xef: {  	[sflag:s13] =	ssyncset.done $0x0  }
0xf0: {  	[sflag:s13] =	ssyncadd.s32 $0xFFFFFF00  }
0xf1: {  	[tilespmem:s16], [sflag:$0x1] =	stream.indirect.gather [hbm4b:s4+s15], $0x20, s3, s15, $0xb8;
	[tilespmem:$0x1EE00] =	vst v63  }
0xf2: {  	_ = 	snop  }
0xf3: {  	[tilespmem:s17], [sflag:$0x1] =	stream.indirect.gather [hbm4b:s4+s15], $0x20, s15, s15, $0xb8;
	[tilespmem:$0x1EE00] =	vst v63  }
0xf4: {  	_ =	swait.ge [sflag:s31], $0x1000  }
0xf5: {  	[sflag:s31] =	ssyncset.done $0x0  }
0xf6: {  	[sflag:s31] =	ssyncadd.s32 $0xFFFFF000  }
0xf7: {  	_ =	swait.ge [sflag:s31], $0x1000  }
0xf8: {  	[sflag:s31] =	ssyncset.done $0x0  }
0xf9: {  	[sflag:s31] =	ssyncadd.s32 $0xFFFFF000  }
0xfa: {  	[spmem:s1] =	stream.indirect.scatter.add.f32 [tilespmem:s20], [sflag:$0x4], $0x20, s19, s15, $0xb8;
	[tilespmem:$0x1EE00] =	vst v63  }
0xfb: {  	_ =	swait.ge [sflag:s13], $0x1000  }
0xfc: {  	[sflag:s13] =	ssyncset.done $0x0  }
0xfd: {  	[sflag:s13] =	ssyncadd.s32 $0xFFFFF000  }
0xfe: {  	[spmem:s1] =	stream.indirect.scatter.add.f32 [tilespmem:s22], [sflag:$0x4], $0x20, s0, s15, $0xb8;
	[tilespmem:$0x1EE00] =	vst v63  }
0xff: {  	_ =	swait.ge [sflag:s13], $0x1000  }
0x100: {  	s11 =	rddreg [dreg:$0x3];
	[sflag:s13] =	ssyncset.done $0x0  }
0x101: {  	s24 =	sadd.s32 s9, s11;
	[sflag:s13] =	ssyncadd.s32 $0xFFFFF000  }
0x102: {  	[tilespmem:s18], [sflag:$0x4] =	stream.linear.gather [hbm4b:s24+s3], $0x100, $0x38;
	[tilespmem:$0x1EE00] =	vst v63  }
0x103: {  	_ =	swait.ge [sflag:s13], $0x100  }
0x104: {  	[sflag:s13] =	ssyncset.done $0x0  }
0x105: {  	s7 =	sadd.s32 $0x80, s7;
	[sflag:s13] =	ssyncadd.s32 $0xFFFFFF00  }
0x106: {  	[tilespmem:s19], [sflag:$0x4] =	stream.linear.gather [hbm4b:s7+s3], $0x100, $0x38;
	[tilespmem:$0x1EE00] =	vst v63  }
0x107: {  	_ =	swait.ge [sflag:s13], $0x100  }
0x108: {  	[sflag:s13] =	ssyncset.done $0x0  }
0x109: {  	[sflag:s13] =	ssyncadd.s32 $0xFFFFFF00  }
0x10a: {  	[tilespmem:s20], [sflag:$0x2] =	stream.indirect.gather [hbm4b:s4+s15], $0x20, s18, s15, $0xb8;
	[tilespmem:$0x1EE00] =	vst v63  }
0x10b: {  	_ = 	snop  }
0x10c: {  	[tilespmem:s22], [sflag:$0x2] =	stream.indirect.gather [hbm4b:s4+s15], $0x20, s21, s15, $0xb8;
	[tilespmem:$0x1EE00] =	vst v63  }
0x10d: {  	_ =	swait.ge [sflag:s2], $0x1000  }
0x10e: {  	[sflag:s2] =	ssyncset.done $0x0  }
0x10f: {  	[sflag:s2] =	ssyncadd.s32 $0xFFFFF000  }
0x110: {  	_ =	swait.ge [sflag:s2], $0x1000  }
0x111: {  	[sflag:s2] =	ssyncset.done $0x0  }
0x112: {  	[sflag:s2] =	ssyncadd.s32 $0xFFFFF000  }
0x113: {  	[spmem:s1] =	stream.indirect.scatter.add.f32 [tilespmem:s26], [sflag:$0x4], $0x20, s25, s15, $0xb8;
	[tilespmem:$0x1EE00] =	vst v63  }
0x114: {  	_ =	swait.ge [sflag:s13], $0x1000  }
0x115: {  	[sflag:s13] =	ssyncset.done $0x0  }
0x116: {  	s10 =	rddreg [dreg:$0x7];
	[sflag:s13] =	ssyncadd.s32 $0xFFFFF000  }
0x117: {  	[spmem:s1] =	stream.indirect.scatter.add.f32 [tilespmem:s28], [sflag:$0x4], $0x20, s10, s15, $0xb8;
	[tilespmem:$0x1EE00] =	vst v63  }
0x118: {  	_ =	swait.ge [sflag:s13], $0x1000  }
0x119: {  	[sflag:s13] =	ssyncset.done $0x0  }
0x11a: {  	[sflag:s13] =	ssyncadd.s32 $0xFFFFF000  }
0x11b: {  	_ =	swait.ge [sflag:s29], $0x1000  }
0x11c: {  	[sflag:s29] =	ssyncset.done $0x0  }
0x11d: {  	[sflag:s29] =	ssyncadd.s32 $0xFFFFF000  }
0x11e: {  	_ =	swait.ge [sflag:s29], $0x1000  }
0x11f: {  	[sflag:s29] =	ssyncset.done $0x0  }
0x120: {  	[sflag:s29] =	ssyncadd.s32 $0xFFFFF000  }
0x121: {  	[spmem:s1] =	stream.indirect.scatter.add.f32 [tilespmem:s16], [sflag:$0x4], $0x20, s14, s15, $0xb8;
	[tilespmem:$0x1EE00] =	vst v63  }
0x122: {  	_ =	swait.ge [sflag:s13], $0x1000  }
0x123: {  	[sflag:s13] =	ssyncset.done $0x0  }
0x124: {  	[sflag:s13] =	ssyncadd.s32 $0xFFFFF000  }
0x125: {  	[spmem:s1] =	stream.indirect.scatter.add.f32 [tilespmem:s17], [sflag:$0x4], $0x20, s30, s15, $0xb8;
	[tilespmem:$0x1EE00] =	vst v63  }
0x126: {  	_ =	swait.ge [sflag:s13], $0x1000  }
0x127: {  	[sflag:s13] =	ssyncset.done $0x0  }
0x128: {  	[sflag:s13] =	ssyncadd.s32 $0xFFFFF000  }
0x129: {  	_ =	swait.ge [sflag:s31], $0x1000  }
0x12a: {  	[sflag:s31] =	ssyncset.done $0x0  }
0x12b: {  	[sflag:s31] =	ssyncadd.s32 $0xFFFFF000  }
0x12c: {  	_ =	swait.ge [sflag:s31], $0x1000  }
0x12d: {  	[sflag:s31] =	ssyncset.done $0x0  }
0x12e: {  	[sflag:s31] =	ssyncadd.s32 $0xFFFFF000  }
0x12f: {  	[spmem:s1] =	stream.indirect.scatter.add.f32 [tilespmem:s20], [sflag:$0x4], $0x20, s19, s15, $0xb8;
	[tilespmem:$0x1EE00] =	vst v63  }
0x130: {  	_ =	swait.ge [sflag:s13], $0x1000  }
0x131: {  	[sflag:s13] =	ssyncset.done $0x0  }
0x132: {  	[sflag:s13] =	ssyncadd.s32 $0xFFFFF000  }
0x133: {  	[spmem:s1] =	stream.indirect.scatter.add.f32 [tilespmem:s22], [sflag:$0x4], $0x20, s0, s15, $0xb8;
	[tilespmem:$0x1EE00] =	vst v63  }
0x134: {  	_ =	swait.ge [sflag:s13], $0x1000  }
0x135: {  	[sflag:s13] =	ssyncset.done $0x0  }
0x136: {  	[sflag:s13] =	ssyncadd.s32 $0xFFFFF000  }
0x137: {  	[bflag:$0x0] =	sbarrier.arrive $0xFFFF  }
0x138: {  	s11 =	rddreg [dreg:$0xd]  }
0x139: {  	[hbm:s11], [sflag:s6] =	dma.local [spmem:s12], $0x3100  }
0x13a: {  	_ =	swait.ge [sflag:s13], $0x3100  }
0x13b: {  	s5 =	sadd.s32 $0x1, s5;
	s24 =	rddreg [dreg:$0xc]  }
0x13c: {  	p0 =	sne.s32 s5, s24  }
.Ltmp1:
0x13d: {  	_ = 	snop;
	(pc) =	sbr.rel @p0 .LBB2_1-.Ltmp1, $3  }
0x13e: {  	_ =	sdelay $0x1  }
0x13f: {  	[sflag:s13] =	ssyncset.done $0x0  }
0x140: {  	[sflag:s13] =	ssyncadd.s32 $0xFFFFCF00  }
0x141: {  	_ =	sfence.sel $0x180000  }
0x142: {  	[bflag:$0x0] =	sbarrier.arrive $0xFFFF  }
0x143: {  	_ =	strace $0x9000004A  }
0x144: {  	s0 =	stileid.u32;
	[bflag:$0x2] =	sbarrier.arrive $0xFFFF  }
0x145: {  	p0 =	sne.s32 s0, $0x0;
	s0 =	rddreg [dreg:$0x2]  }
0x146: {  	s0 =	sadd.s32 @!p0 $0x100000, s0  }
0x147: {  	[sflag:s0] =	ssyncadd.tile.s32 @!p0 $0x1;
	_ =	shalt  }
.Lfunc_end2:
_tile_overlayer_lowered:
.L_overlay_start_2:
0x148: {  	(tag) =	ssettag $0x2  }
0x149: {  	s0 =	rddreg [dreg:$0x0];
	s2 =	stileid.u32  }
0x14a: {  	s1 =	rddreg [dreg:$0x1];
	p0 =	sne.s32 s2, $0x0  }
0x14b: {  	s3 =	rddreg [dreg:$0x2];
	[bflag:$0x3] =	sbarrier.arrive $0xFFFF;
	s2 =	simm.s32 @!p0 $0x1C04  }
0x14c: {  	[timem:s3], [sflag:s2] =	dma.local @!p0 [hbm:s0], s1  }
0x14d: {  	s0 =	simm.s32 @!p0 $0x4  }
0x14e: {  	_ =	swait.ge @!p0 [sflag:s0], s1  }
0x14f: {  	s1 =	ssub.s32 @!p0 $0x0, s1;
	[sflag:s0] =	ssyncset.done @!p0 $0x0  }
0x150: {  	[sflag:s0] =	ssyncadd.s32 @!p0 s1  }
0x151: {  	[bflag:$0x3] =	sbarrier.arrive $0xFFFF  }
0x152: {  	_ =	shalt  }

// kernel: kernel.7.cloned.1.call-start
scs
__scs_entry_jumppad:
0x0: {  	(pc) =	sbr.rel $0x88, $3  }
0x1: {  	(tag) =	ssettag $0x0;
	lr =	simm.s32 $0x1  }
0x2: {  	[smem:$0x3F96] =	sst lr;
	_ =	strace $0xD0000000  }
0x3: {  	_ = 	snop  }
0x4: {  	_ = 	snop  }
0x5: {  	_ = 	snop  }
0x6: {  	_ = 	snop  }
0x7: {  	_ = 	snop  }
__scs_overlays_trampoline_lowered:
0x8: {  	[smem:$0x3FA5] =	sst s0  }
0x9: {  	[smem:$0x3FA6] =	sst s1  }
0xa: {  	[smem:$0x3FA7] =	sst s2  }
0xb: {  	[smem:$0x3FA8] =	sst s3  }
0xc: {  	[smem:$0x3FA9] =	sst s4  }
0xd: {  	[smem:$0x3FAA] =	sst s5  }
0xe: {  	[smem:$0x3FAB] =	sst s6  }
0xf: {  	[smem:$0x3FAC] =	sst s7  }
0x10: {  	[smem:$0x3FAD] =	sst s8  }
0x11: {  	[smem:$0x3FAE] =	sst s9;
	s0 =	simm.s32 @!p0 $0x0  }
0x12: {  	s1 =	sld [smem:$0x3F94];
	s0 =	simm.s32 @p0 $0x1  }
0x13: {  	[smem:$0x3FAF] =	sst s0;
	s0 =	simm.s32 @!p1 $0x0  }
0x14: {  	s2 =	sld [smem:$0x3F93];
	s0 =	simm.s32 @p1 $0x1  }
0x15: {  	[smem:$0x3FB0] =	sst s0;
	s0 =	simm.s32 @!p2 $0x0  }
0x16: {  	s3 =	sld [smem:$0x3FDB];
	s0 =	simm.s32 @p2 $0x1  }
0x17: {  	s4 =	simm.s32 $0x1BF5;
	[smem:$0x3FB2] =	sst s0  }
0x18: {  	s0 =	sld [smem:$0x3F95];
	_ =	swait.ge [sflag:s4], $0x0  }
0x19: {  	s7 =	sld [smem:$0x3F96]  }
0x1a: {  	s8 =	sadd.s32 $0xFFFFE003, lr  }
0x1b: {  	s9 =	sadd.s32 $0xFFFFFEF7, lr;
	s5 =	simm.s32 $0xFFFFFFFF;
	p2 =	slt.u32 s8, $0xFFFFF086  }
0x1c: {  	p1 =	slt.u32 s9, $0xF7A;
	s5 =	simm.s32 @!p2 $0x0  }
0x1d: {  	s5 =	simm.s32 @p1 $0x1;
	p0 =	seq.s32 s7, s2  }
0x1e: {  	s7 =	smul.u32 @!p0 $0xF7A, s2;
	p2 =	seq.s32 @!p0 s5, $0x0  }
0x1f: {  	s9 =	smul.u32 $0xF7A, s1;
	s8 =	simm.s32 @!p0 $0x1BF5;
	p2 =	por !p2, p0  }
0x20: {  	[sflag:s8] =	ssyncset.s32 @!p0 $0xFFFFF086;
	s6 =	sadd.s32 @!p0 s3, s7;
	s7 =	simm.s32 @!p0 $0x108  }
0x21: {  	s3 =	sadd.s32 s3, s9;
	s6 =	sadd.s32 @!p0 $0x88, s6;
	s7 =	simm.s32 @p2 $0x1082  }
0x22: {  	[simem:s7], [sflag:s8] =	dma.local @!p0 [hbm:s6], $0xF7A  }
0x23: {  	s9 =	sor.u32 $0xD0000000, s2;
	s6 =	simm.s32 $0x108;
	_ =	swait.ge @!p0 [sflag:s8], $0x0  }
0x24: {  	s3 =	sadd.s32 $0x88, s3;
	s6 =	simm.s32 @!p1 $0x1082;
	[sflag:s4] =	ssyncset.s32 $0xFFFFF086  }
0x25: {  	[simem:s6], [sflag:s4] =	dma.local [hbm:s3], $0xF7A  }
0x26: {  	[smem:$0x3F96] =	sst s1;
	(tag) =	ssettag s2;
	_ =	strace s9  }
0x27: {  	s1 =	sld [smem:$0x3FA6]  }
0x28: {  	s2 =	sld [smem:$0x3FA7]  }
0x29: {  	s4 =	sld [smem:$0x3FA9]  }
0x2a: {  	p0 =	seq.s32 s5, $0x0;
	s5 =	sld [smem:$0x3FAA]  }
0x2b: {  	s6 =	sld [smem:$0x3FAB]  }
0x2c: {  	s7 =	sld [smem:$0x3FAC]  }
0x2d: {  	s3 =	simm.s32 $0x108;
	s8 =	sld [smem:$0x3FAD]  }
0x2e: {  	s3 =	simm.s32 @!p0 $0x1082;
	s9 =	sld [smem:$0x3FAE]  }
0x2f: {  	lr =	sadd.s32 s0, s3;
	s0 =	sld [smem:$0x3FA5]  }
0x30: {  	s3 =	sld [smem:$0x3FA8]  }
0x31: {  	[smem:$0x3FB1] =	sst s10  }
0x32: {  	s10 =	sld [smem:$0x3FAF];
	_ =	sdelay $0x3  }
0x33: {  	p0 =	seq.s32 s10, $0x1;
	s10 =	sld [smem:$0x3FB1];
	_ =	sdelay $0x3  }
0x34: {  	[smem:$0x3FB1] =	sst s10  }
0x35: {  	s10 =	sld [smem:$0x3FB0];
	_ =	sdelay $0x3  }
0x36: {  	p1 =	seq.s32 s10, $0x1;
	s10 =	sld [smem:$0x3FB1];
	_ =	sdelay $0x3  }
0x37: {  	[smem:$0x3FB1] =	sst s10  }
0x38: {  	s10 =	sld [smem:$0x3FB2]  }
0x39: {  	_ = 	snop;
	(pc) =	sbr.ind lr, $3  }
0x3a: {  	_ = 	snop  }
0x3b: {  	_ = 	snop  }
0x3c: {  	p2 =	seq.s32 s10, $0x1;
	s10 =	sld [smem:$0x3FB1]  }
0x3d: {  	_ =	shalt  }
0x3e: {  	_ =	shalt  }
0x3f: {  	_ =	shalt  }
0x40: {  	_ =	shalt  }
0x41: {  	_ =	shalt  }
0x42: {  	_ =	shalt  }
0x43: {  	_ =	shalt  }
0x44: {  	_ =	shalt  }
0x45: {  	_ =	shalt  }
0x46: {  	_ =	shalt  }
0x47: {  	_ =	shalt  }
0x48: {  	_ =	shalt  }
0x49: {  	_ =	shalt  }
0x4a: {  	_ =	shalt  }
0x4b: {  	_ =	shalt  }
0x4c: {  	_ =	shalt  }
0x4d: {  	_ =	shalt  }
0x4e: {  	_ =	shalt  }
0x4f: {  	_ =	shalt  }
0x50: {  	_ =	shalt  }
0x51: {  	_ =	shalt  }
0x52: {  	_ =	shalt  }
0x53: {  	_ =	shalt  }
0x54: {  	_ =	shalt  }
0x55: {  	_ =	shalt  }
0x56: {  	_ =	shalt  }
0x57: {  	_ =	shalt  }
0x58: {  	_ =	shalt  }
0x59: {  	_ =	shalt  }
0x5a: {  	_ =	shalt  }
0x5b: {  	_ =	shalt  }
0x5c: {  	_ =	shalt  }
0x5d: {  	_ =	shalt  }
0x5e: {  	_ =	shalt  }
0x5f: {  	_ =	shalt  }
0x60: {  	_ =	shalt  }
0x61: {  	_ =	shalt  }
0x62: {  	_ =	shalt  }
0x63: {  	_ =	shalt  }
0x64: {  	_ =	shalt  }
0x65: {  	_ =	shalt  }
0x66: {  	_ =	shalt  }
0x67: {  	_ =	shalt  }
0x68: {  	_ =	shalt  }
0x69: {  	_ =	shalt  }
0x6a: {  	_ =	shalt  }
0x6b: {  	_ =	shalt  }
0x6c: {  	_ =	shalt  }
0x6d: {  	_ =	shalt  }
0x6e: {  	_ =	shalt  }
0x6f: {  	_ =	shalt  }
0x70: {  	_ =	shalt  }
0x71: {  	_ =	shalt  }
0x72: {  	_ =	shalt  }
0x73: {  	_ =	shalt  }
0x74: {  	_ =	shalt  }
0x75: {  	_ =	shalt  }
0x76: {  	_ =	shalt  }
0x77: {  	_ =	shalt  }
0x78: {  	_ =	shalt  }
0x79: {  	_ =	shalt  }
0x7a: {  	_ =	shalt  }
0x7b: {  	_ =	shalt  }
0x7c: {  	_ =	shalt  }
0x7d: {  	_ =	shalt  }
0x7e: {  	_ =	shalt  }
0x7f: {  	_ =	shalt  }
0x80: {  	_ =	shalt  }
0x81: {  	_ =	shalt  }
0x82: {  	_ =	shalt  }
0x83: {  	_ =	shalt  }
0x84: {  	_ =	shalt  }
0x85: {  	_ =	shalt  }
0x86: {  	_ =	shalt  }
0x87: {  	_ =	shalt  }
.Lfunc_end0:
.L_simem_size_0:
called_computation_lowered:
.L_overlay_start_0:
0x88: {  	s2 =	sld [smem:$0x3FD9]  }
0x89: {  	s3 =	sld [smem:$0x3FFE];
	_ =	sdelay $0x1  }
0x8a: {  	s1 =	srdreg.scid  }
0x8b: {  	s0 =	sand.u32 $0x1, s1  }
0x8c: {  	s14 =	sshll.u32 s0, $0xA;
	s2 =	sadd.s32 s3, s2  }
0x8d: {  	s2 =	sadd.s32 s2, s14  }
0x8e: {  	[smem:$0x3FBD] =	sst s2  }
0x8f: {  	_ = 	snop  }
0x90: {  	s2 =	sld [smem:$0x3FD0];
	_ =	sdelay $0x2  }
0x91: {  	s15 =	simm.s32 $0xA;
	s4 =	simm.s32 $0x10  }
0x92: {  	[smem:s4], [sflag:s15] =	dma.local [hbm:s2], $0x1  }
0x93: {  	_ =	swait.eq [sflag:s15], $0x1  }
0x94: {  	[sflag:s15] =	ssyncset.done $0x0  }
0x95: {  	[sflag:s15] =	ssyncadd.s32 $0xFFFFFFFF  }
0x96: {  	s16 =	sld [smem:$0x10];
	(tm) =	ssettm $0x1  }
0x97: {  	s17 =	sld [smem:$0x3FFB];
	_ =	sdelay $0x3  }
0x98: {  	_ =	strace s17  }
0x99: {  	s3 =	sld [smem:$0x3FFC];
	_ =	sdelay $0x3  }
0x9a: {  	_ =	strace s3  }
0x9b: {  	s3 =	sld [smem:$0x3FFD];
	_ =	sdelay $0x3  }
0x9c: {  	_ =	strace s3  }
0x9d: {  	_ =	strace $0x8FFFFFFF  }
0x9e: {  	s18 =	sld [smem:$0x3FDB];
	_ =	sdelay $0x1  }
0x9f: {  	s19 =	simm.s32 $_scs_section_size  }
0xa0: {  	s5 =	simm.s32 $_size__tile_overlayer_lowered;
	s6 =	simm.s32 $_tile_overlayer_lowered  }
0xa1: {  	s22 =	simm.s32 $0x1BFF;
	s21 =	sshll.u32 s6, $0x1;
	s3 =	sadd.s32 s19, s18  }
0xa2: {  	s7 =	simm.s32 $0x0;
	s20 =	sshll.u32 s5, $0x1;
	s5 =	sadd.s32 s21, s3  }
0xa3: {  	[timem:s7], [sflag:s22] =	dma.local [hbm:s5], s20  }
0xa4: {  	_ =	swait.ge [sflag:s22], s20  }
0xa5: {  	s4 =	ssub.s32 $0x0, s20;
	[sflag:s22] =	ssyncset.done $0x0  }
0xa6: {  	[sflag:s22] =	ssyncadd.s32 s4;
	_ =	sdelay $0x1  }
0xa7: {  	s23 =	simm.s32 $0x1B8B  }
0xa8: {  	_ =	swait.ge [sflag:s23], $0x1  }
0xa9: {  	[sflag:s23] =	ssyncset.done $0x0  }
0xaa: {  	s25 =	simm.s32 $0x1B8E;
	s24 =	sld [smem:$0x3FFE];
	[sflag:s23] =	ssyncadd.s32 $0xFFFFFFFF  }
0xab: {  	s26 =	simm.s32 $execute0_lowered;
	[smem:$0x3FD2] =	sst s25  }
0xac: {  	s5 =	sshll.u32 s26, $0x1;
	_ =	strace $0x80000046;
	[dreg:$0x1] =	wrdreg $0xFFFFFFFF  }
0xad: {  	s28 =	simm.s32 $_size_execute0_lowered;
	s3 =	sadd.s32 s3, s5;
	[dreg:$0x0] =	wrdreg $0x0  }
0xae: {  	s5 =	sshll.u32 s28, $0x1;
	[dreg:$0x2] =	wrdreg s3  }
0xaf: {  	[dreg:$0x3] =	wrdreg s5  }
0xb0: {  	[dreg:$0x4] =	wrdreg $0xC0  }
0xb1: {  	_ =	task [dreg:s7], $0x5FFFF  }
0xb2: {  	[dreg:$0x1] =	wrdreg $0xFFFFFFFF  }
0xb3: {  	[dreg:$0x0] =	wrdreg $0x60  }
0xb4: {  	[dreg:$0x2] =	wrdreg s24  }
0xb5: {  	[dreg:$0x3] =	wrdreg s16  }
0xb6: {  	[dreg:$0x4] =	wrdreg $0x9  }
0xb7: {  	_ =	task.clear_ibuf [dreg:s7], $0x5FFFF;
	_ =	strace $0x90000046  }
0xb8: {  	s29 =	simm.s32 $0x9;
	_ =	strace $0x80000048  }
0xb9: {  	_ =	swait.ge [sflag:s29], $0x1  }
0xba: {  	[sflag:s29] =	ssyncadd.s32 $0xFFFFFFFF  }
0xbb: {  	_ =	strace $0x90000048  }
0xbc: {  	_ =	sfence  }
0xbd: {  	s30 =	sld [smem:$0x0];
	_ =	sdelay $0x2  }
0xbe: {  	s31 =	sshll.u32 s1, $0xD;
	s1 =	sshrl.u32 s1, $0x2  }
0xbf: {  	s3 =	sand.u32 $0x4000, s31;
	s1 =	sadd.s32 s1, s30  }
0xc0: {  	s0 =	sor.u32 s3, s0;
	s1 =	sshll.u32 s1, $0x11  }
0xc1: {  	s0 =	sor.u32 s1, s0  }
0xc2: {  	s0 =	sadd.s32 $0x8F2B, s0  }
0xc3: {  	[sflag:s0] =	ssyncadd.remote.s32 $0x1  }
0xc4: {  	_ =	sfence.sel $0xFFFF  }
0xc5: {  	[dreg:$0x0] =	wrdreg $0xFFFFFFFF;
	(pc) =	sbr.abs _section_cstart, $3  }
0xc6: {  	[dreg:$0x1] =	wrdreg $0xFFFFFFFF  }
0xc7: {  	_ =	task.clear_ibuf [dreg:s7], $0x2FFFF;
	_ =	strace $0x9FFFFFFF  }
0xc8: {  	(tm) =	ssettm $0x7FFFFFFF  }
0xc9: {  	_ =	shalt  }
tec
execute0_lowered:
.L_overlay_start_1:
0x0: {  	(tag) =	ssettag $0x1  }
0x1: {  	s5 =	rddreg [dreg:$0x0];
	s1 =	srdreg.scid  }
0x2: {  	s0 =	stileid.u32;
	s2 =	rddreg [dreg:$0x1];
	s3 =	simm.s32 $0x0  }
0x3: {  	s10 =	simm.s32 $0x0;
	s4 =	sand.u32 $0x1, s1;
	s6 =	sshll.u32 s0, $0x1  }
0x4: {  	s1 =	rddreg [dreg:$0x2];
	s6 =	sor.u32 s4, s6;
	s8 =	ssub.s32 $0x2, s4  }
0x5: {  	[smem:$0x7FF] =	sst s3;
	s7 =	smul.u32 $0x1880, s6;
	s9 =	sshrl.u32 s8, $0x1  }
0x6: {  	_ =	strace $0x80000047;
	s4 =	sadd.s32 $0x2E00, s5;
	s8 =	ssub.s32 s8, s9  }
0x7: {  	s9 =	simm.s32 $0x1;
	s7 =	sadd.s32 s7, s5;
	s5 =	smul.u32 $0x6400, s6  }
0x8: {  	v0 =	vimm.f32 $1.000000000e+00;
	s6 =	sadd.s32 $0x1BE00, s7;
	s7 =	smax.u32 s8, $0x1;
	s8 =	simm.s32 $0x640  }
.LBB2_1:
0x9: {  	[tilespmem:s8], [sflag:$0x1] =	stream.linear.gather [hbm4b:s2+s3], $0xC400, $0x38;
	[tilespmem:$0xCA40] =	vst v63  }
0xa: {  	_ =	swait.ge [sflag:s9], $0xC400  }
0xb: {  	[sflag:s9] =	ssyncset.done $0x0  }
0xc: {  	s11 =	simm.s32 $0x0;
	[sflag:s9] =	ssyncadd.s32 $0xFFFF3C00  }
.LBB2_2:
0xd: {  	s12 =	smul.u32 $0x640, s11;
	_ =	sdelay $0x1  }
0xe: {  	s12 =	sadd.s32 s5, s12  }
0xf: {  	s12 =	sshrl.u32 s12, $0x3  }
0x10: {  	s13 =	simm.s32 $0x0;
	s12 =	sadd.s32 s4, s12  }
0x11: {  	[tilespmem:s13], [sflag:$0x1] =	stream.linear.gather [hbm4b:s12+s13], $0x640, $0x38;
	[tilespmem:$0xCA40] =	vst v63  }
0x12: {  	_ =	swait.ge [sflag:s9], $0x640  }
0x13: {  	[sflag:s9] =	ssyncset.done $0x0  }
0x14: {  	s13 =	simm.s32 $0x0;
	s12 =	simm.s32 $0x40;
	[sflag:s9] =	ssyncadd.s32 $0xFFFFF9C0  }
.LBB2_3:
0x15: {  	p0 =	sne.s32 s12, $0x18C0;
	v1 =	vld [tilespmem:s13+$0x0];
	_ =	sdelay $0x3  }
.Ltmp0:
0x16: {  	(pc) =	sbr.rel @p0 .LBB2_3-.Ltmp0, $2  }
0x17: {  	_ =	sdelay $0x2  }
0x18: {  	s13 =	sshra.s32 s12, $0x2;
	s12 =	sadd.s32 $0x40, s12;
	[tilespmem:v1+s8+$0x0] =	vst.idx.add.f32.msk $0xffff, v0  }
0x19: {  	v1 =	vld [tilespmem:s13+$0x0];
	_ =	sdelay $0x1  }
0x1a: {  	s11 =	sadd.s32 $0x1, s11  }
0x1b: {  	p0 =	sne.s32 s11, $0x10  }
.Ltmp1:
0x1c: {  	_ = 	snop;
	(pc) =	sbr.rel @p0 .LBB2_2-.Ltmp1, $2  }
0x1d: {  	_ =	sdelay $0x2  }
0x1e: {  	[tilespmem:v1+s8+$0x0] =	vst.idx.add.f32.msk $0xffff, v0  }
0x1f: {  	s10 =	sadd.s32 $0x1, s10  }
0x20: {  	p0 =	sne.s32 s10, s7  }
.Ltmp2:
0x21: {  	_ = 	snop;
	(pc) =	sbr.rel @p0 .LBB2_1-.Ltmp2, $4  }
0x22: {  	[hbm4b:s6+s3] =	stream.linear.scatter [tilespmem:s8], [sflag:$0x1], $0xC400, $0x38;
	[tilespmem:$0xCA40] =	vst v63  }
0x23: {  	_ =	swait.ge [sflag:s9], $0xC400  }
0x24: {  	[sflag:s9] =	ssyncset.done $0x0  }
0x25: {  	[sflag:s9] =	ssyncadd.s32 $0xFFFF3C00  }
0x26: {  	_ =	sfence.sel $0x180000  }
0x27: {  	[bflag:$0x0] =	sbarrier.arrive $0xFFFF  }
0x28: {  	p0 =	sne.s32 s0, $0x0;
	_ =	strace $0x90000047  }
0x29: {  	s0 =	sadd.s32 @!p0 $0x100000, s1;
	[bflag:$0x2] =	sbarrier.arrive $0xFFFF  }
0x2a: {  	[sflag:s0] =	ssyncadd.tile.s32 @!p0 $0x1;
	_ =	shalt  }
.Lfunc_end2:
_tile_overlayer_lowered:
.L_overlay_start_2:
0x2b: {  	(tag) =	ssettag $0x2  }
0x2c: {  	s0 =	rddreg [dreg:$0x0];
	s2 =	stileid.u32  }
0x2d: {  	s1 =	rddreg [dreg:$0x1];
	p0 =	sne.s32 s2, $0x0  }
0x2e: {  	s3 =	rddreg [dreg:$0x2];
	[bflag:$0x3] =	sbarrier.arrive $0xFFFF;
	s2 =	simm.s32 @!p0 $0x1C01  }
0x2f: {  	[timem:s3], [sflag:s2] =	dma.local @!p0 [hbm:s0], s1  }
0x30: {  	s0 =	simm.s32 @!p0 $0x1  }
0x31: {  	_ =	swait.ge @!p0 [sflag:s0], s1  }
0x32: {  	s1 =	ssub.s32 @!p0 $0x0, s1;
	[sflag:s0] =	ssyncset.done @!p0 $0x0  }
0x33: {  	[sflag:s0] =	ssyncadd.s32 @!p0 s1  }
0x34: {  	[bflag:$0x3] =	sbarrier.arrive $0xFFFF  }
0x35: {  	_ =	shalt  }

</sc_bundles>
